<compile_context>
chip_gen: v7x
topology: tpu7x:2x2x1
jax: 0.10.2.dev20260603
libtpu: 0.0.44.dev20260713+nightly
codegen_flags: <defaults>
</compile_context>

<pallas_src>
import functools

import jax
import jax.numpy as jnp
from jax import lax
from jax.experimental import pallas as pl
from jax.experimental.pallas import tpu as pltpu
from jax.experimental.pallas import tpu_sc as plsc

N = 10000
D = 128
E = 320000
NC, NS = 2, 16
NW = NC * NS
CH = 128
EPW = 10240
EPAD = NW * EPW
NCH = EPW // CH
NPAD = 10112
RPT = NPAD // NS
DEGW = 16

_mesh = plsc.VectorSubcoreMesh(core_axis_name="c", subcore_axis_name="s")



@functools.partial(
    pl.kernel,
    out_type=jax.ShapeDtypeStruct((NC, NPAD, DEGW), jnp.float32),
    mesh=_mesh,
    scratch_types=[
        pltpu.VMEM((CH,), jnp.int32),
        pltpu.VMEM((CH, DEGW), jnp.float32),
        pltpu.VMEM_SHARED((NPAD, DEGW), jnp.float32),
    ],
)
def _sc_degree(dst_hbm, zeros_hbm, deg_hbm, dst_v, ones_v, acc):
    c = lax.axis_index("c")
    s = lax.axis_index("s")

    def fill(i, carry):
        ones_v[i, :] = jnp.ones((DEGW,), jnp.float32)
        return carry

    lax.fori_loop(0, CH, fill, 0)
    pltpu.sync_copy(zeros_hbm.at[pl.ds(s * RPT, RPT), :],
                    acc.at[pl.ds(s * RPT, RPT), :])
    plsc.subcore_barrier()

    base0 = (c * NS + s) * EPW

    def body(i, carry):
        base = base0 + i * CH
        pltpu.sync_copy(dst_hbm.at[pl.ds(base, CH)], dst_v)
        pltpu.sync_copy(ones_v, acc.at[dst_v], add=True)
        return carry

    lax.fori_loop(0, NCH, body, 0)
    plsc.subcore_barrier()
    pltpu.sync_copy(acc.at[pl.ds(s * RPT, RPT), :],
                    deg_hbm.at[c, pl.ds(s * RPT, RPT), :])


@functools.partial(
    pl.kernel,
    out_type=jax.ShapeDtypeStruct((NC, NPAD, D), jnp.float32),
    mesh=_mesh,
    scratch_types=[
        pltpu.VMEM((CH,), jnp.int32),
        pltpu.VMEM((CH,), jnp.int32),
        pltpu.VMEM((CH, D), jnp.float32),
        pltpu.VMEM_SHARED((NPAD, D), jnp.float32),
        pltpu.SemaphoreType.DMA,
    ],
)
def _sc_spmm(g_hbm, src_hbm, dst_hbm, zeros_hbm, out_hbm,
             src_v, dst_v, rows_v, acc, sem):
    c = lax.axis_index("c")
    s = lax.axis_index("s")
    pltpu.sync_copy(zeros_hbm.at[pl.ds(s * RPT, RPT), :],
                    acc.at[pl.ds(s * RPT, RPT), :])
    plsc.subcore_barrier()

    base0 = (c * NS + s) * EPW

    def body(i, carry):
        base = base0 + i * CH
        pltpu.sync_copy(src_hbm.at[pl.ds(base, CH)], src_v)
        pltpu.sync_copy(dst_hbm.at[pl.ds(base, CH)], dst_v)
        pltpu.async_copy(g_hbm.at[src_v], rows_v, sem).wait()
        pltpu.sync_copy(rows_v, acc.at[dst_v], add=True)
        return carry

    lax.fori_loop(0, NCH, body, 0)
    plsc.subcore_barrier()
    pltpu.sync_copy(acc.at[pl.ds(s * RPT, RPT), :],
                    out_hbm.at[c, pl.ds(s * RPT, RPT), :])



BR = 1000


def _tc_first_body(deg_ref, x_ref, w_ref, g_ref, dinv_ref):
    d16 = deg_ref[0] + deg_ref[1] + 1.0
    dinvf = pltpu.repeat(lax.rsqrt(d16), 8, 1)
    h = jnp.dot(x_ref[...], w_ref[...], preferred_element_type=jnp.float32)
    dinv_ref[...] = dinvf
    g_ref[...] = h * dinvf


def _tc_mid_body(dinv_ref, p_ref, g_ref, w_ref, b_ref, gn_ref):
    dinvf = dinv_ref[...]
    h = dinvf * (p_ref[0] + p_ref[1] + g_ref[...]) + b_ref[...]
    gn_ref[...] = jnp.dot(h, w_ref[...],
                          preferred_element_type=jnp.float32) * dinvf


def _tc_last_body(dinv_ref, p_ref, g_ref, b_ref, o_ref):
    t = dinv_ref[...] * (p_ref[0] + p_ref[1] + g_ref[...]) + b_ref[...]
    o_ref[...] = 0.5 * t * (1.0 + lax.erf(t * 0.7071067811865476))


_row_spec = pl.BlockSpec((BR, D), lambda i: (i, 0))
_p_spec = pl.BlockSpec((NC, BR, D), lambda i: (0, i, 0))
_w_spec = pl.BlockSpec((D, D), lambda i: (0, 0))
_b_spec = pl.BlockSpec((1, D), lambda i: (0, 0))

_tc_first = pl.pallas_call(
    _tc_first_body,
    grid=(N // BR,),
    in_specs=[pl.BlockSpec((NC, BR, DEGW), lambda i: (0, i, 0)),
              _row_spec, _w_spec],
    out_specs=[_row_spec, _row_spec],
    out_shape=[jax.ShapeDtypeStruct((N, D), jnp.float32),
               jax.ShapeDtypeStruct((N, D), jnp.float32)],
)

_tc_mid = pl.pallas_call(
    _tc_mid_body,
    grid=(N // BR,),
    in_specs=[_row_spec, _p_spec, _row_spec, _w_spec, _b_spec],
    out_specs=_row_spec,
    out_shape=jax.ShapeDtypeStruct((N, D), jnp.float32),
)

_tc_last = pl.pallas_call(
    _tc_last_body,
    grid=(N // BR,),
    in_specs=[_row_spec, _p_spec, _row_spec, _b_spec],
    out_specs=_row_spec,
    out_shape=jax.ShapeDtypeStruct((N, D), jnp.float32),
)



def kernel(x, edge_index, W0, b0, W1, b1, W2, b2):
    src = edge_index[0].astype(jnp.int32)
    dst = edge_index[1].astype(jnp.int32)
    src = jnp.concatenate([src, jnp.zeros((EPAD - E,), jnp.int32)])
    dst = jnp.concatenate([dst, jnp.full((EPAD - E,), N, jnp.int32)])
    zeros_nd = jnp.zeros((NPAD, D), jnp.float32)
    zeros_deg = jnp.zeros((NPAD, DEGW), jnp.float32)

    deg_p = _sc_degree(dst, zeros_deg)
    g, dinvf = _tc_first(deg_p, x, W0)
    for (w_next, b_cur) in ((W1, b0), (W2, b1)):
        p = _sc_spmm(g, src, dst, zeros_nd)
        g = _tc_mid(dinvf, p, g, w_next, b_cur.reshape(1, D))
    p = _sc_spmm(g, src, dst, zeros_nd)
    return _tc_last(dinvf, p, g, b2.reshape(1, D))

# --- scband reference (transcript-rebuilt; emitter-appended) ---
"""Pipeline reference for scband-gcnbackbone-21277267984978 (READ-ONLY COPY).

The authoritative reference and input builder live on the scoring server;
editing this copy changes nothing except your own understanding.
"""

import jax, jax.numpy as jnp
import numpy as np

N_NODES = 10000
N_EDGES = 320000
D = 128
N_LAYERS = 3


def setup_inputs(seed: int = 0) -> dict:
    key = jax.random.key(seed)
    ks = jax.random.split(key, 2 + 2 * N_LAYERS)
    x = jax.random.normal(ks[0], (N_NODES, D), dtype=jnp.float32)
    edge_index = jax.random.randint(ks[1], (2, N_EDGES), 0, N_NODES, dtype=jnp.int64)
    inp = {"x": x, "edge_index": edge_index}
    scale = 1.0 / np.sqrt(D)
    for i in range(N_LAYERS):
        inp[f"W{i}"] = jax.random.normal(ks[2 + 2 * i], (D, D), dtype=jnp.float32) * scale
        inp[f"b{i}"] = jax.random.normal(ks[3 + 2 * i], (D,), dtype=jnp.float32) * 0.01
    return inp


def _gcn_conv(x, W, b, src, dst, n_nodes):
    # PyG GCNConv: add self loops, symmetric normalization, linear, scatter-add aggregate, bias
    loop = jnp.arange(n_nodes, dtype=src.dtype)
    src_f = jnp.concatenate([src, loop])
    dst_f = jnp.concatenate([dst, loop])
    ew = jnp.ones(src_f.shape[0], dtype=x.dtype)
    deg = jnp.zeros((n_nodes,), dtype=x.dtype).at[dst_f].add(ew)
    dinv = jnp.where(deg > 0, deg ** -0.5, 0.0)
    norm = dinv[src_f] * ew * dinv[dst_f]
    h = x @ W
    msg = h[src_f] * norm[:, None]
    out = jnp.zeros((n_nodes, W.shape[1]), dtype=x.dtype).at[dst_f].add(msg)
    return out + b


def reference(x, edge_index, W0, b0, W1, b1, W2, b2):
    src = edge_index[0]
    dst = edge_index[1]
    params = [(W0, b0), (W1, b1), (W2, b2)]
    h = x
    for (W, b) in params:
        h = _gcn_conv(h, W, b, src, dst, N_NODES)
    h = jax.nn.gelu(h, approximate=False)
    return h

if __name__ == "__main__":
    import jax
    _d = setup_inputs()
    print(jax.jit(kernel)(*tuple(_d.values())))

</pallas_src>

<mosaic_0001>
#map = affine_map<(d0, d1) -> (0, 0)>
#map1 = affine_map<(d0, d1) -> (0)>
#map2 = affine_map<(d0, d1) -> (0, 0, 0)>
module attributes {stable_mosaic.version = 14 : i64} {
  func.func @_sc_spmm(%arg0: i32, %arg1: i32, %arg2: memref<10000x128xf32, #tpu.memory_space<hbm>>, %arg3: memref<327680xi32, #tpu.memory_space<hbm>>, %arg4: memref<327680xi32, #tpu.memory_space<hbm>>, %arg5: memref<10112x128xf32, #tpu.memory_space<hbm>>, %arg6: memref<2x10112x128xf32, #tpu.memory_space<hbm>>, %arg7: memref<128xi32, #tpu.memory_space<vmem>>, %arg8: memref<128xi32, #tpu.memory_space<vmem>>, %arg9: memref<128x128xf32, #tpu.memory_space<vmem>>, %arg10: memref<10112x128xf32, #tpu.memory_space<vmem_shared>>, %arg11: memref<!tpu.dma_semaphore, #tpu.memory_space<semaphore_mem>>) attributes {dimension_semantics = [#tpu.dimension_semantics<core_parallel>, #tpu.dimension_semantics<subcore_parallel>], iteration_bounds = array<i64: 2, 16>, scalar_prefetch = 0 : i64, scratch_operands = 5 : i64, tpu.core_type = #tpu.core_type<sc_vector_subcore>, window_params = [{transform_indices = #map}, {transform_indices = #map1}, {transform_indices = #map1}, {transform_indices = #map}, {transform_indices = #map2}]} {
    %mul3A = arith.constant 632 : i32
    %mul3A_0 = arith.muli %arg1, %mul3A : i32
    %mul3A_1 = arith.constant 632 : i32
    %mul3A_2 = arith.muli %arg1, %mul3A_1 : i32
    "tpu.region"() ({
      %run_scoped3A = tpu.sem_alloc : memref<!tpu.dma_semaphore, #tpu.memory_space<semaphore_mem>>
      %dma_start3A = arith.constant 0 : i32
      %dma_start3A_17 = tpu.memref_slice %arg10[%mul3A_2, %dma_start3A] : memref<10112x128xf32, #tpu.memory_space<vmem_shared>> -> memref<632x128xf32, #tpu.memory_space<vmem_shared>>
      %dma_start3A_18 = arith.constant 0 : i32
      %dma_start3A_19 = tpu.memref_slice %arg5[%mul3A_0, %dma_start3A_18] : memref<10112x128xf32, #tpu.memory_space<hbm>> -> memref<632x128xf32, #tpu.memory_space<hbm>>
      tpu.enqueue_dma source(%dma_start3A_19 : memref<632x128xf32, #tpu.memory_space<hbm>>) target(%dma_start3A_17 : memref<632x128xf32, #tpu.memory_space<vmem_shared>>) target_semaphore(%run_scoped3A : memref<!tpu.dma_semaphore, #tpu.memory_space<semaphore_mem>>)
      %dma_wait3A = arith.constant 0 : i32
      %dma_wait3A_20 = tpu.memref_slice %arg10[%mul3A_2, %dma_wait3A] : memref<10112x128xf32, #tpu.memory_space<vmem_shared>> -> memref<632x128xf32, #tpu.memory_space<vmem_shared>>
      %dma_wait3A_21 = arith.constant 0 : i32
      %dma_wait3A_22 = tpu.memref_slice %arg5[%mul3A_0, %dma_wait3A_21] : memref<10112x128xf32, #tpu.memory_space<hbm>> -> memref<632x128xf32, #tpu.memory_space<hbm>>
      tpu.wait_dma2 semaphore(%run_scoped3A : memref<!tpu.dma_semaphore, #tpu.memory_space<semaphore_mem>>) src(%dma_wait3A_22 : memref<632x128xf32, #tpu.memory_space<hbm>>) dst(%dma_wait3A_20 : memref<632x128xf32, #tpu.memory_space<vmem_shared>>)
      tpu.yield
    }) : () -> ()
    %barrier3A = arith.constant 0 : index
    tpu.barrier barrier_id(%barrier3A)
    %mul3A_3 = arith.constant 16 : i32
    %mul3A_4 = arith.muli %arg0, %mul3A_3 : i32
    %add3A = arith.addi %mul3A_4, %arg1 : i32
    %mul3A_5 = arith.constant 10240 : i32
    %mul3A_6 = arith.muli %add3A, %mul3A_5 : i32
    %scan3A = arith.constant 0 : i32
    %scan3A_7 = arith.constant 0 : i32
    %scan3A_8 = arith.constant 80 : i32
    %scan3A_9 = arith.addi %scan3A_7, %scan3A_8 : i32
    %scan3A_10 = arith.constant 1 : i32
    scf.for %scan3A_17 = %scan3A_7 to %scan3A_9 step %scan3A_10  : i32 {
      %mul3A_18 = arith.constant 128 : i32
      %mul3A_19 = arith.muli %scan3A_17, %mul3A_18 : i32
      %add3A_20 = arith.addi %mul3A_6, %mul3A_19 : i32
      "tpu.region"() ({
        %run_scoped3A = tpu.sem_alloc : memref<!tpu.dma_semaphore, #tpu.memory_space<semaphore_mem>>
        %dma_start3A_25 = tpu.memref_slice %arg3[%add3A_20] : memref<327680xi32, #tpu.memory_space<hbm>> -> memref<128xi32, #tpu.memory_space<hbm>>
        %dma_start3A_26 = tpu.memref_slice %arg3[%add3A_20] : memref<327680xi32, #tpu.memory_space<hbm>> -> memref<128xi32, #tpu.memory_space<hbm>>
        tpu.enqueue_dma source(%dma_start3A_26 : memref<128xi32, #tpu.memory_space<hbm>>) target(%arg7 : memref<128xi32, #tpu.memory_space<vmem>>) target_semaphore(%run_scoped3A : memref<!tpu.dma_semaphore, #tpu.memory_space<semaphore_mem>>)
        %dma_wait3A_27 = tpu.memref_slice %arg3[%add3A_20] : memref<327680xi32, #tpu.memory_space<hbm>> -> memref<128xi32, #tpu.memory_space<hbm>>
        %dma_wait3A_28 = tpu.memref_slice %arg3[%add3A_20] : memref<327680xi32, #tpu.memory_space<hbm>> -> memref<128xi32, #tpu.memory_space<hbm>>
        tpu.wait_dma2 semaphore(%run_scoped3A : memref<!tpu.dma_semaphore, #tpu.memory_space<semaphore_mem>>) src(%dma_wait3A_28 : memref<128xi32, #tpu.memory_space<hbm>>) dst(%arg7 : memref<128xi32, #tpu.memory_space<vmem>>)
        tpu.yield
      }) : () -> ()
      "tpu.region"() ({
        %run_scoped3A = tpu.sem_alloc : memref<!tpu.dma_semaphore, #tpu.memory_space<semaphore_mem>>
        %dma_start3A_25 = tpu.memref_slice %arg4[%add3A_20] : memref<327680xi32, #tpu.memory_space<hbm>> -> memref<128xi32, #tpu.memory_space<hbm>>
        %dma_start3A_26 = tpu.memref_slice %arg4[%add3A_20] : memref<327680xi32, #tpu.memory_space<hbm>> -> memref<128xi32, #tpu.memory_space<hbm>>
        tpu.enqueue_dma source(%dma_start3A_26 : memref<128xi32, #tpu.memory_space<hbm>>) target(%arg8 : memref<128xi32, #tpu.memory_space<vmem>>) target_semaphore(%run_scoped3A : memref<!tpu.dma_semaphore, #tpu.memory_space<semaphore_mem>>)
        %dma_wait3A_27 = tpu.memref_slice %arg4[%add3A_20] : memref<327680xi32, #tpu.memory_space<hbm>> -> memref<128xi32, #tpu.memory_space<hbm>>
        %dma_wait3A_28 = tpu.memref_slice %arg4[%add3A_20] : memref<327680xi32, #tpu.memory_space<hbm>> -> memref<128xi32, #tpu.memory_space<hbm>>
        tpu.wait_dma2 semaphore(%run_scoped3A : memref<!tpu.dma_semaphore, #tpu.memory_space<semaphore_mem>>) src(%dma_wait3A_28 : memref<128xi32, #tpu.memory_space<hbm>>) dst(%arg8 : memref<128xi32, #tpu.memory_space<vmem>>)
        tpu.yield
      }) : () -> ()
      %dma_start3A = arith.constant 0 : i32
      %dma_start3A_21 = arith.constant 0 : i32
      %dma_start3A_22 = tpu.memref_slice %arg2[%dma_start3A, %dma_start3A_21] : memref<10000x128xf32, #tpu.memory_space<hbm>> -> memref<10000x128xf32, #tpu.memory_space<hbm>>
      tpu.enqueue_indirect_dma source(%dma_start3A_22 : memref<10000x128xf32, #tpu.memory_space<hbm>>) target(%arg9 : memref<128x128xf32, #tpu.memory_space<vmem>>) offsets(%arg7 : memref<128xi32, #tpu.memory_space<vmem>>) semaphore(%arg11 : memref<!tpu.dma_semaphore, #tpu.memory_space<semaphore_mem>>)
      %dma_wait3A = arith.constant 0 : i32
      %dma_wait3A_23 = arith.constant 0 : i32
      %dma_wait3A_24 = tpu.memref_slice %arg2[%dma_wait3A, %dma_wait3A_23] : memref<10000x128xf32, #tpu.memory_space<hbm>> -> memref<10000x128xf32, #tpu.memory_space<hbm>>
      tpu.wait_indirect_dma semaphore(%arg11 : memref<!tpu.dma_semaphore, #tpu.memory_space<semaphore_mem>>) src(%dma_wait3A_24 : memref<10000x128xf32, #tpu.memory_space<hbm>>) dst(%arg9 : memref<128x128xf32, #tpu.memory_space<vmem>>)
      "tpu.region"() ({
        %run_scoped3A = tpu.sem_alloc : memref<!tpu.dma_semaphore, #tpu.memory_space<semaphore_mem>>
        %dma_start3A_25 = arith.constant 0 : i32
        %dma_start3A_26 = arith.constant 0 : i32
        %dma_start3A_27 = tpu.memref_slice %arg10[%dma_start3A_25, %dma_start3A_26] : memref<10112x128xf32, #tpu.memory_space<vmem_shared>> -> memref<10112x128xf32, #tpu.memory_space<vmem_shared>>
        tpu.enqueue_indirect_dma source(%arg9 : memref<128x128xf32, #tpu.memory_space<vmem>>) target(%dma_start3A_27 : memref<10112x128xf32, #tpu.memory_space<vmem_shared>>) offsets(%arg8 : memref<128xi32, #tpu.memory_space<vmem>>) semaphore(%run_scoped3A : memref<!tpu.dma_semaphore, #tpu.memory_space<semaphore_mem>>) {add = true}
        %dma_wait3A_28 = arith.constant 0 : i32
        %dma_wait3A_29 = arith.constant 0 : i32
        %dma_wait3A_30 = tpu.memref_slice %arg10[%dma_wait3A_28, %dma_wait3A_29] : memref<10112x128xf32, #tpu.memory_space<vmem_shared>> -> memref<10112x128xf32, #tpu.memory_space<vmem_shared>>
        tpu.wait_indirect_dma semaphore(%run_scoped3A : memref<!tpu.dma_semaphore, #tpu.memory_space<semaphore_mem>>) src(%arg9 : memref<128x128xf32, #tpu.memory_space<vmem>>) dst(%dma_wait3A_30 : memref<10112x128xf32, #tpu.memory_space<vmem_shared>>)
        tpu.yield
      }) : () -> ()
    }
    %scan3A_11 = arith.constant 80 : i32
    %barrier3A_12 = arith.constant 0 : index
    tpu.barrier barrier_id(%barrier3A_12)
    %mul3A_13 = arith.constant 632 : i32
    %mul3A_14 = arith.muli %arg1, %mul3A_13 : i32
    %mul3A_15 = arith.constant 632 : i32
    %mul3A_16 = arith.muli %arg1, %mul3A_15 : i32
    "tpu.region"() ({
      %run_scoped3A = tpu.sem_alloc : memref<!tpu.dma_semaphore, #tpu.memory_space<semaphore_mem>>
      %dma_start3A = arith.constant 0 : i32
      %dma_start3A_17 = tpu.memref_slice %arg6[%arg0, %mul3A_16, %dma_start3A] : memref<2x10112x128xf32, #tpu.memory_space<hbm>> -> memref<1x632x128xf32, #tpu.memory_space<hbm>>
      %dma_start3A_18 = tpu.memref_squeeze %dma_start3A_17 : memref<1x632x128xf32, #tpu.memory_space<hbm>> -> memref<632x128xf32, #tpu.memory_space<hbm>>
      %dma_start3A_19 = arith.constant 0 : i32
      %dma_start3A_20 = tpu.memref_slice %arg10[%mul3A_14, %dma_start3A_19] : memref<10112x128xf32, #tpu.memory_space<vmem_shared>> -> memref<632x128xf32, #tpu.memory_space<vmem_shared>>
      tpu.enqueue_dma source(%dma_start3A_20 : memref<632x128xf32, #tpu.memory_space<vmem_shared>>) target(%dma_start3A_18 : memref<632x128xf32, #tpu.memory_space<hbm>>) target_semaphore(%run_scoped3A : memref<!tpu.dma_semaphore, #tpu.memory_space<semaphore_mem>>)
      %dma_wait3A = arith.constant 0 : i32
      %dma_wait3A_21 = tpu.memref_slice %arg6[%arg0, %mul3A_16, %dma_wait3A] : memref<2x10112x128xf32, #tpu.memory_space<hbm>> -> memref<1x632x128xf32, #tpu.memory_space<hbm>>
      %dma_wait3A_22 = tpu.memref_squeeze %dma_wait3A_21 : memref<1x632x128xf32, #tpu.memory_space<hbm>> -> memref<632x128xf32, #tpu.memory_space<hbm>>
      %dma_wait3A_23 = arith.constant 0 : i32
      %dma_wait3A_24 = tpu.memref_slice %arg10[%mul3A_14, %dma_wait3A_23] : memref<10112x128xf32, #tpu.memory_space<vmem_shared>> -> memref<632x128xf32, #tpu.memory_space<vmem_shared>>
      tpu.wait_dma2 semaphore(%run_scoped3A : memref<!tpu.dma_semaphore, #tpu.memory_space<semaphore_mem>>) src(%dma_wait3A_24 : memref<632x128xf32, #tpu.memory_space<vmem_shared>>) dst(%dma_wait3A_22 : memref<632x128xf32, #tpu.memory_space<hbm>>)
      tpu.yield
    }) : () -> ()
    return
  }
}

#map = affine_map<(d0, d1) -> (0, 0)>
#map1 = affine_map<(d0, d1) -> (0)>
#map2 = affine_map<(d0, d1) -> (0, 0, 0)>
module attributes {stable_mosaic.version = 14 : i64} {
  func.func @_sc_spmm(%arg0: i32, %arg1: i32, %arg2: memref<10000x128xf32, #tpu.memory_space<hbm>>, %arg3: memref<327680xi32, #tpu.memory_space<hbm>>, %arg4: memref<327680xi32, #tpu.memory_space<hbm>>, %arg5: memref<10112x128xf32, #tpu.memory_space<hbm>>, %arg6: memref<2x10112x128xf32, #tpu.memory_space<hbm>>, %arg7: memref<128xi32, #tpu.memory_space<vmem>>, %arg8: memref<128xi32, #tpu.memory_space<vmem>>, %arg9: memref<128x128xf32, #tpu.memory_space<vmem>>, %arg10: memref<10112x128xf32, #tpu.memory_space<vmem_shared>>, %arg11: memref<!tpu.dma_semaphore, #tpu.memory_space<semaphore_mem>>) attributes {dimension_semantics = [#tpu.dimension_semantics<core_parallel>, #tpu.dimension_semantics<subcore_parallel>], iteration_bounds = array<i64: 2, 16>, scalar_prefetch = 0 : i64, scratch_operands = 5 : i64, tpu.core_type = #tpu.core_type<sc_vector_subcore>, window_params = [{transform_indices = #map}, {transform_indices = #map1}, {transform_indices = #map1}, {transform_indices = #map}, {transform_indices = #map2}]} {
    %mul3A = arith.constant 632 : i32
    %mul3A_0 = arith.muli %arg1, %mul3A : i32
    %mul3A_1 = arith.constant 632 : i32
    %mul3A_2 = arith.muli %arg1, %mul3A_1 : i32
    "tpu.region"() ({
      %run_scoped3A = tpu.sem_alloc : memref<!tpu.dma_semaphore, #tpu.memory_space<semaphore_mem>>
      %dma_start3A = arith.constant 0 : i32
      %dma_start3A_17 = tpu.memref_slice %arg10[%mul3A_2, %dma_start3A] : memref<10112x128xf32, #tpu.memory_space<vmem_shared>> -> memref<632x128xf32, #tpu.memory_space<vmem_shared>>
      %dma_start3A_18 = arith.constant 0 : i32
      %dma_start3A_19 = tpu.memref_slice %arg5[%mul3A_0, %dma_start3A_18] : memref<10112x128xf32, #tpu.memory_space<hbm>> -> memref<632x128xf32, #tpu.memory_space<hbm>>
      tpu.enqueue_dma source(%dma_start3A_19 : memref<632x128xf32, #tpu.memory_space<hbm>>) target(%dma_start3A_17 : memref<632x128xf32, #tpu.memory_space<vmem_shared>>) target_semaphore(%run_scoped3A : memref<!tpu.dma_semaphore, #tpu.memory_space<semaphore_mem>>)
      %dma_wait3A = arith.constant 0 : i32
      %dma_wait3A_20 = tpu.memref_slice %arg10[%mul3A_2, %dma_wait3A] : memref<10112x128xf32, #tpu.memory_space<vmem_shared>> -> memref<632x128xf32, #tpu.memory_space<vmem_shared>>
      %dma_wait3A_21 = arith.constant 0 : i32
      %dma_wait3A_22 = tpu.memref_slice %arg5[%mul3A_0, %dma_wait3A_21] : memref<10112x128xf32, #tpu.memory_space<hbm>> -> memref<632x128xf32, #tpu.memory_space<hbm>>
      tpu.wait_dma2 semaphore(%run_scoped3A : memref<!tpu.dma_semaphore, #tpu.memory_space<semaphore_mem>>) src(%dma_wait3A_22 : memref<632x128xf32, #tpu.memory_space<hbm>>) dst(%dma_wait3A_20 : memref<632x128xf32, #tpu.memory_space<vmem_shared>>)
      tpu.yield
    }) : () -> ()
    %barrier3A = arith.constant 0 : index
    tpu.barrier barrier_id(%barrier3A)
    %mul3A_3 = arith.constant 16 : i32
    %mul3A_4 = arith.muli %arg0, %mul3A_3 : i32
    %add3A = arith.addi %mul3A_4, %arg1 : i32
    %mul3A_5 = arith.constant 10240 : i32
    %mul3A_6 = arith.muli %add3A, %mul3A_5 : i32
    %scan3A = arith.constant 0 : i32
    %scan3A_7 = arith.constant 0 : i32
    %scan3A_8 = arith.constant 80 : i32
    %scan3A_9 = arith.addi %scan3A_7, %scan3A_8 : i32
    %scan3A_10 = arith.constant 1 : i32
    scf.for %scan3A_17 = %scan3A_7 to %scan3A_9 step %scan3A_10  : i32 {
      %mul3A_18 = arith.constant 128 : i32
      %mul3A_19 = arith.muli %scan3A_17, %mul3A_18 : i32
      %add3A_20 = arith.addi %mul3A_6, %mul3A_19 : i32
      "tpu.region"() ({
        %run_scoped3A = tpu.sem_alloc : memref<!tpu.dma_semaphore, #tpu.memory_space<semaphore_mem>>
        %dma_start3A_25 = tpu.memref_slice %arg3[%add3A_20] : memref<327680xi32, #tpu.memory_space<hbm>> -> memref<128xi32, #tpu.memory_space<hbm>>
        %dma_start3A_26 = tpu.memref_slice %arg3[%add3A_20] : memref<327680xi32, #tpu.memory_space<hbm>> -> memref<128xi32, #tpu.memory_space<hbm>>
        tpu.enqueue_dma source(%dma_start3A_26 : memref<128xi32, #tpu.memory_space<hbm>>) target(%arg7 : memref<128xi32, #tpu.memory_space<vmem>>) target_semaphore(%run_scoped3A : memref<!tpu.dma_semaphore, #tpu.memory_space<semaphore_mem>>)
        %dma_wait3A_27 = tpu.memref_slice %arg3[%add3A_20] : memref<327680xi32, #tpu.memory_space<hbm>> -> memref<128xi32, #tpu.memory_space<hbm>>
        %dma_wait3A_28 = tpu.memref_slice %arg3[%add3A_20] : memref<327680xi32, #tpu.memory_space<hbm>> -> memref<128xi32, #tpu.memory_space<hbm>>
        tpu.wait_dma2 semaphore(%run_scoped3A : memref<!tpu.dma_semaphore, #tpu.memory_space<semaphore_mem>>) src(%dma_wait3A_28 : memref<128xi32, #tpu.memory_space<hbm>>) dst(%arg7 : memref<128xi32, #tpu.memory_space<vmem>>)
        tpu.yield
      }) : () -> ()
      "tpu.region"() ({
        %run_scoped3A = tpu.sem_alloc : memref<!tpu.dma_semaphore, #tpu.memory_space<semaphore_mem>>
        %dma_start3A_25 = tpu.memref_slice %arg4[%add3A_20] : memref<327680xi32, #tpu.memory_space<hbm>> -> memref<128xi32, #tpu.memory_space<hbm>>
        %dma_start3A_26 = tpu.memref_slice %arg4[%add3A_20] : memref<327680xi32, #tpu.memory_space<hbm>> -> memref<128xi32, #tpu.memory_space<hbm>>
        tpu.enqueue_dma source(%dma_start3A_26 : memref<128xi32, #tpu.memory_space<hbm>>) target(%arg8 : memref<128xi32, #tpu.memory_space<vmem>>) target_semaphore(%run_scoped3A : memref<!tpu.dma_semaphore, #tpu.memory_space<semaphore_mem>>)
        %dma_wait3A_27 = tpu.memref_slice %arg4[%add3A_20] : memref<327680xi32, #tpu.memory_space<hbm>> -> memref<128xi32, #tpu.memory_space<hbm>>
        %dma_wait3A_28 = tpu.memref_slice %arg4[%add3A_20] : memref<327680xi32, #tpu.memory_space<hbm>> -> memref<128xi32, #tpu.memory_space<hbm>>
        tpu.wait_dma2 semaphore(%run_scoped3A : memref<!tpu.dma_semaphore, #tpu.memory_space<semaphore_mem>>) src(%dma_wait3A_28 : memref<128xi32, #tpu.memory_space<hbm>>) dst(%arg8 : memref<128xi32, #tpu.memory_space<vmem>>)
        tpu.yield
      }) : () -> ()
      %dma_start3A = arith.constant 0 : i32
      %dma_start3A_21 = arith.constant 0 : i32
      %dma_start3A_22 = tpu.memref_slice %arg2[%dma_start3A, %dma_start3A_21] : memref<10000x128xf32, #tpu.memory_space<hbm>> -> memref<10000x128xf32, #tpu.memory_space<hbm>>
      tpu.enqueue_indirect_dma source(%dma_start3A_22 : memref<10000x128xf32, #tpu.memory_space<hbm>>) target(%arg9 : memref<128x128xf32, #tpu.memory_space<vmem>>) offsets(%arg7 : memref<128xi32, #tpu.memory_space<vmem>>) semaphore(%arg11 : memref<!tpu.dma_semaphore, #tpu.memory_space<semaphore_mem>>)
      %dma_wait3A = arith.constant 0 : i32
      %dma_wait3A_23 = arith.constant 0 : i32
      %dma_wait3A_24 = tpu.memref_slice %arg2[%dma_wait3A, %dma_wait3A_23] : memref<10000x128xf32, #tpu.memory_space<hbm>> -> memref<10000x128xf32, #tpu.memory_space<hbm>>
      tpu.wait_indirect_dma semaphore(%arg11 : memref<!tpu.dma_semaphore, #tpu.memory_space<semaphore_mem>>) src(%dma_wait3A_24 : memref<10000x128xf32, #tpu.memory_space<hbm>>) dst(%arg9 : memref<128x128xf32, #tpu.memory_space<vmem>>)
      "tpu.region"() ({
        %run_scoped3A = tpu.sem_alloc : memref<!tpu.dma_semaphore, #tpu.memory_space<semaphore_mem>>
        %dma_start3A_25 = arith.constant 0 : i32
        %dma_start3A_26 = arith.constant 0 : i32
        %dma_start3A_27 = tpu.memref_slice %arg10[%dma_start3A_25, %dma_start3A_26] : memref<10112x128xf32, #tpu.memory_space<vmem_shared>> -> memref<10112x128xf32, #tpu.memory_space<vmem_shared>>
        tpu.enqueue_indirect_dma source(%arg9 : memref<128x128xf32, #tpu.memory_space<vmem>>) target(%dma_start3A_27 : memref<10112x128xf32, #tpu.memory_space<vmem_shared>>) offsets(%arg8 : memref<128xi32, #tpu.memory_space<vmem>>) semaphore(%run_scoped3A : memref<!tpu.dma_semaphore, #tpu.memory_space<semaphore_mem>>) {add = true}
        %dma_wait3A_28 = arith.constant 0 : i32
        %dma_wait3A_29 = arith.constant 0 : i32
        %dma_wait3A_30 = tpu.memref_slice %arg10[%dma_wait3A_28, %dma_wait3A_29] : memref<10112x128xf32, #tpu.memory_space<vmem_shared>> -> memref<10112x128xf32, #tpu.memory_space<vmem_shared>>
        tpu.wait_indirect_dma semaphore(%run_scoped3A : memref<!tpu.dma_semaphore, #tpu.memory_space<semaphore_mem>>) src(%arg9 : memref<128x128xf32, #tpu.memory_space<vmem>>) dst(%dma_wait3A_30 : memref<10112x128xf32, #tpu.memory_space<vmem_shared>>)
        tpu.yield
      }) : () -> ()
    }
    %scan3A_11 = arith.constant 80 : i32
    %barrier3A_12 = arith.constant 0 : index
    tpu.barrier barrier_id(%barrier3A_12)
    %mul3A_13 = arith.constant 632 : i32
    %mul3A_14 = arith.muli %arg1, %mul3A_13 : i32
    %mul3A_15 = arith.constant 632 : i32
    %mul3A_16 = arith.muli %arg1, %mul3A_15 : i32
    "tpu.region"() ({
      %run_scoped3A = tpu.sem_alloc : memref<!tpu.dma_semaphore, #tpu.memory_space<semaphore_mem>>
      %dma_start3A = arith.constant 0 : i32
      %dma_start3A_17 = tpu.memref_slice %arg6[%arg0, %mul3A_16, %dma_start3A] : memref<2x10112x128xf32, #tpu.memory_space<hbm>> -> memref<1x632x128xf32, #tpu.memory_space<hbm>>
      %dma_start3A_18 = tpu.memref_squeeze %dma_start3A_17 : memref<1x632x128xf32, #tpu.memory_space<hbm>> -> memref<632x128xf32, #tpu.memory_space<hbm>>
      %dma_start3A_19 = arith.constant 0 : i32
      %dma_start3A_20 = tpu.memref_slice %arg10[%mul3A_14, %dma_start3A_19] : memref<10112x128xf32, #tpu.memory_space<vmem_shared>> -> memref<632x128xf32, #tpu.memory_space<vmem_shared>>
      tpu.enqueue_dma source(%dma_start3A_20 : memref<632x128xf32, #tpu.memory_space<vmem_shared>>) target(%dma_start3A_18 : memref<632x128xf32, #tpu.memory_space<hbm>>) target_semaphore(%run_scoped3A : memref<!tpu.dma_semaphore, #tpu.memory_space<semaphore_mem>>)
      %dma_wait3A = arith.constant 0 : i32
      %dma_wait3A_21 = tpu.memref_slice %arg6[%arg0, %mul3A_16, %dma_wait3A] : memref<2x10112x128xf32, #tpu.memory_space<hbm>> -> memref<1x632x128xf32, #tpu.memory_space<hbm>>
      %dma_wait3A_22 = tpu.memref_squeeze %dma_wait3A_21 : memref<1x632x128xf32, #tpu.memory_space<hbm>> -> memref<632x128xf32, #tpu.memory_space<hbm>>
      %dma_wait3A_23 = arith.constant 0 : i32
      %dma_wait3A_24 = tpu.memref_slice %arg10[%mul3A_14, %dma_wait3A_23] : memref<10112x128xf32, #tpu.memory_space<vmem_shared>> -> memref<632x128xf32, #tpu.memory_space<vmem_shared>>
      tpu.wait_dma2 semaphore(%run_scoped3A : memref<!tpu.dma_semaphore, #tpu.memory_space<semaphore_mem>>) src(%dma_wait3A_24 : memref<632x128xf32, #tpu.memory_space<vmem_shared>>) dst(%dma_wait3A_22 : memref<632x128xf32, #tpu.memory_space<hbm>>)
      tpu.yield
    }) : () -> ()
    return
  }
}

#map = affine_map<(d0, d1) -> (0)>
#map1 = affine_map<(d0, d1) -> (0, 0)>
#map2 = affine_map<(d0, d1) -> (0, 0, 0)>
module attributes {stable_mosaic.version = 14 : i64} {
  func.func @_sc_degree(%arg0: i32, %arg1: i32, %arg2: memref<327680xi32, #tpu.memory_space<hbm>>, %arg3: memref<10112x16xf32, #tpu.memory_space<hbm>>, %arg4: memref<2x10112x16xf32, #tpu.memory_space<hbm>>, %arg5: memref<128xi32, #tpu.memory_space<vmem>>, %arg6: memref<128x16xf32, #tpu.memory_space<vmem>>, %arg7: memref<10112x16xf32, #tpu.memory_space<vmem_shared>>) attributes {dimension_semantics = [#tpu.dimension_semantics<core_parallel>, #tpu.dimension_semantics<subcore_parallel>], iteration_bounds = array<i64: 2, 16>, scalar_prefetch = 0 : i64, scratch_operands = 3 : i64, tpu.core_type = #tpu.core_type<sc_vector_subcore>, window_params = [{transform_indices = #map}, {transform_indices = #map1}, {transform_indices = #map2}]} {
    %scan3A = arith.constant 0 : i32
    %scan3A_0 = arith.constant 0 : i32
    %scan3A_1 = arith.constant 128 : i32
    %scan3A_2 = arith.addi %scan3A_0, %scan3A_1 : i32
    %scan3A_3 = arith.constant 1 : i32
    scf.for %scan3A_23 = %scan3A_0 to %scan3A_2 step %scan3A_3  : i32 {
      %broadcast_in_dim3A = arith.constant 1.000000e+00 : f32
      %broadcast_in_dim3A_24 = vector.broadcast %broadcast_in_dim3A : f32 to vector<16xf32>
      %swap3A = arith.index_cast %scan3A_23 : i32 to index
      %swap3A_25 = arith.constant 0 : index
      %swap3A_26 = tpu.vector_load %arg6[%swap3A, %swap3A_25] {strides = array<i32>} : memref<128x16xf32, #tpu.memory_space<vmem>>, vector<1x16xf32>,
      %swap3A_27 = vector.shape_cast %swap3A_26 : vector<1x16xf32> to vector<16xf32>
      %swap3A_28 = vector.shape_cast %broadcast_in_dim3A_24 : vector<16xf32> to vector<1x16xf32>
      tpu.vector_store %arg6[%swap3A, %swap3A_25], %swap3A_28 {strides = array<i32>} : memref<128x16xf32, #tpu.memory_space<vmem>>, vector<1x16xf32>,
    }
    %scan3A_4 = arith.constant 128 : i32
    %mul3A = arith.constant 632 : i32
    %mul3A_5 = arith.muli %arg1, %mul3A : i32
    %mul3A_6 = arith.constant 632 : i32
    %mul3A_7 = arith.muli %arg1, %mul3A_6 : i32
    "tpu.region"() ({
      %run_scoped3A = tpu.sem_alloc : memref<!tpu.dma_semaphore, #tpu.memory_space<semaphore_mem>>
      %dma_start3A = arith.constant 0 : i32
      %dma_start3A_23 = tpu.memref_slice %arg7[%mul3A_7, %dma_start3A] : memref<10112x16xf32, #tpu.memory_space<vmem_shared>> -> memref<632x16xf32, #tpu.memory_space<vmem_shared>>
      %dma_start3A_24 = arith.constant 0 : i32
      %dma_start3A_25 = tpu.memref_slice %arg3[%mul3A_5, %dma_start3A_24] : memref<10112x16xf32, #tpu.memory_space<hbm>> -> memref<632x16xf32, #tpu.memory_space<hbm>>
      tpu.enqueue_dma source(%dma_start3A_25 : memref<632x16xf32, #tpu.memory_space<hbm>>) target(%dma_start3A_23 : memref<632x16xf32, #tpu.memory_space<vmem_shared>>) target_semaphore(%run_scoped3A : memref<!tpu.dma_semaphore, #tpu.memory_space<semaphore_mem>>)
      %dma_wait3A = arith.constant 0 : i32
      %dma_wait3A_26 = tpu.memref_slice %arg7[%mul3A_7, %dma_wait3A] : memref<10112x16xf32, #tpu.memory_space<vmem_shared>> -> memref<632x16xf32, #tpu.memory_space<vmem_shared>>
      %dma_wait3A_27 = arith.constant 0 : i32
      %dma_wait3A_28 = tpu.memref_slice %arg3[%mul3A_5, %dma_wait3A_27] : memref<10112x16xf32, #tpu.memory_space<hbm>> -> memref<632x16xf32, #tpu.memory_space<hbm>>
      tpu.wait_dma2 semaphore(%run_scoped3A : memref<!tpu.dma_semaphore, #tpu.memory_space<semaphore_mem>>) src(%dma_wait3A_28 : memref<632x16xf32, #tpu.memory_space<hbm>>) dst(%dma_wait3A_26 : memref<632x16xf32, #tpu.memory_space<vmem_shared>>)
      tpu.yield
    }) : () -> ()
    %barrier3A = arith.constant 0 : index
    tpu.barrier barrier_id(%barrier3A)
    %mul3A_8 = arith.constant 16 : i32
    %mul3A_9 = arith.muli %arg0, %mul3A_8 : i32
    %add3A = arith.addi %mul3A_9, %arg1 : i32
    %mul3A_10 = arith.constant 10240 : i32
    %mul3A_11 = arith.muli %add3A, %mul3A_10 : i32
    %scan3A_12 = arith.constant 0 : i32
    %scan3A_13 = arith.constant 0 : i32
    %scan3A_14 = arith.constant 80 : i32
    %scan3A_15 = arith.addi %scan3A_13, %scan3A_14 : i32
    %scan3A_16 = arith.constant 1 : i32
    scf.for %scan3A_23 = %scan3A_13 to %scan3A_15 step %scan3A_16  : i32 {
      %mul3A_24 = arith.constant 128 : i32
      %mul3A_25 = arith.muli %scan3A_23, %mul3A_24 : i32
      %add3A_26 = arith.addi %mul3A_11, %mul3A_25 : i32
      "tpu.region"() ({
        %run_scoped3A = tpu.sem_alloc : memref<!tpu.dma_semaphore, #tpu.memory_space<semaphore_mem>>
        %dma_start3A = tpu.memref_slice %arg2[%add3A_26] : memref<327680xi32, #tpu.memory_space<hbm>> -> memref<128xi32, #tpu.memory_space<hbm>>
        %dma_start3A_27 = tpu.memref_slice %arg2[%add3A_26] : memref<327680xi32, #tpu.memory_space<hbm>> -> memref<128xi32, #tpu.memory_space<hbm>>
        tpu.enqueue_dma source(%dma_start3A_27 : memref<128xi32, #tpu.memory_space<hbm>>) target(%arg5 : memref<128xi32, #tpu.memory_space<vmem>>) target_semaphore(%run_scoped3A : memref<!tpu.dma_semaphore, #tpu.memory_space<semaphore_mem>>)
        %dma_wait3A = tpu.memref_slice %arg2[%add3A_26] : memref<327680xi32, #tpu.memory_space<hbm>> -> memref<128xi32, #tpu.memory_space<hbm>>
        %dma_wait3A_28 = tpu.memref_slice %arg2[%add3A_26] : memref<327680xi32, #tpu.memory_space<hbm>> -> memref<128xi32, #tpu.memory_space<hbm>>
        tpu.wait_dma2 semaphore(%run_scoped3A : memref<!tpu.dma_semaphore, #tpu.memory_space<semaphore_mem>>) src(%dma_wait3A_28 : memref<128xi32, #tpu.memory_space<hbm>>) dst(%arg5 : memref<128xi32, #tpu.memory_space<vmem>>)
        tpu.yield
      }) : () -> ()
      "tpu.region"() ({
        %run_scoped3A = tpu.sem_alloc : memref<!tpu.dma_semaphore, #tpu.memory_space<semaphore_mem>>
        %dma_start3A = arith.constant 0 : i32
        %dma_start3A_27 = arith.constant 0 : i32
        %dma_start3A_28 = tpu.memref_slice %arg7[%dma_start3A, %dma_start3A_27] : memref<10112x16xf32, #tpu.memory_space<vmem_shared>> -> memref<10112x16xf32, #tpu.memory_space<vmem_shared>>
        tpu.enqueue_indirect_dma source(%arg6 : memref<128x16xf32, #tpu.memory_space<vmem>>) target(%dma_start3A_28 : memref<10112x16xf32, #tpu.memory_space<vmem_shared>>) offsets(%arg5 : memref<128xi32, #tpu.memory_space<vmem>>) semaphore(%run_scoped3A : memref<!tpu.dma_semaphore, #tpu.memory_space<semaphore_mem>>) {add = true}
        %dma_wait3A = arith.constant 0 : i32
        %dma_wait3A_29 = arith.constant 0 : i32
        %dma_wait3A_30 = tpu.memref_slice %arg7[%dma_wait3A, %dma_wait3A_29] : memref<10112x16xf32, #tpu.memory_space<vmem_shared>> -> memref<10112x16xf32, #tpu.memory_space<vmem_shared>>
        tpu.wait_indirect_dma semaphore(%run_scoped3A : memref<!tpu.dma_semaphore, #tpu.memory_space<semaphore_mem>>) src(%arg6 : memref<128x16xf32, #tpu.memory_space<vmem>>) dst(%dma_wait3A_30 : memref<10112x16xf32, #tpu.memory_space<vmem_shared>>)
        tpu.yield
      }) : () -> ()
    }
    %scan3A_17 = arith.constant 80 : i32
    %barrier3A_18 = arith.constant 0 : index
    tpu.barrier barrier_id(%barrier3A_18)
    %mul3A_19 = arith.constant 632 : i32
    %mul3A_20 = arith.muli %arg1, %mul3A_19 : i32
    %mul3A_21 = arith.constant 632 : i32
    %mul3A_22 = arith.muli %arg1, %mul3A_21 : i32
    "tpu.region"() ({
      %run_scoped3A = tpu.sem_alloc : memref<!tpu.dma_semaphore, #tpu.memory_space<semaphore_mem>>
      %dma_start3A = arith.constant 0 : i32
      %dma_start3A_23 = tpu.memref_slice %arg4[%arg0, %mul3A_22, %dma_start3A] : memref<2x10112x16xf32, #tpu.memory_space<hbm>> -> memref<1x632x16xf32, #tpu.memory_space<hbm>>
      %dma_start3A_24 = tpu.memref_squeeze %dma_start3A_23 : memref<1x632x16xf32, #tpu.memory_space<hbm>> -> memref<632x16xf32, #tpu.memory_space<hbm>>
      %dma_start3A_25 = arith.constant 0 : i32
      %dma_start3A_26 = tpu.memref_slice %arg7[%mul3A_20, %dma_start3A_25] : memref<10112x16xf32, #tpu.memory_space<vmem_shared>> -> memref<632x16xf32, #tpu.memory_space<vmem_shared>>
      tpu.enqueue_dma source(%dma_start3A_26 : memref<632x16xf32, #tpu.memory_space<vmem_shared>>) target(%dma_start3A_24 : memref<632x16xf32, #tpu.memory_space<hbm>>) target_semaphore(%run_scoped3A : memref<!tpu.dma_semaphore, #tpu.memory_space<semaphore_mem>>)
      %dma_wait3A = arith.constant 0 : i32
      %dma_wait3A_27 = tpu.memref_slice %arg4[%arg0, %mul3A_22, %dma_wait3A] : memref<2x10112x16xf32, #tpu.memory_space<hbm>> -> memref<1x632x16xf32, #tpu.memory_space<hbm>>
      %dma_wait3A_28 = tpu.memref_squeeze %dma_wait3A_27 : memref<1x632x16xf32, #tpu.memory_space<hbm>> -> memref<632x16xf32, #tpu.memory_space<hbm>>
      %dma_wait3A_29 = arith.constant 0 : i32
      %dma_wait3A_30 = tpu.memref_slice %arg7[%mul3A_20, %dma_wait3A_29] : memref<10112x16xf32, #tpu.memory_space<vmem_shared>> -> memref<632x16xf32, #tpu.memory_space<vmem_shared>>
      tpu.wait_dma2 semaphore(%run_scoped3A : memref<!tpu.dma_semaphore, #tpu.memory_space<semaphore_mem>>) src(%dma_wait3A_30 : memref<632x16xf32, #tpu.memory_space<vmem_shared>>) dst(%dma_wait3A_28 : memref<632x16xf32, #tpu.memory_space<hbm>>)
      tpu.yield
    }) : () -> ()
    return
  }
}

#map = affine_map<(d0, d1) -> (0, 0)>
#map1 = affine_map<(d0, d1) -> (0)>
#map2 = affine_map<(d0, d1) -> (0, 0, 0)>
module attributes {stable_mosaic.version = 14 : i64} {
  func.func @_sc_spmm(%arg0: i32, %arg1: i32, %arg2: memref<10000x128xf32, #tpu.memory_space<hbm>>, %arg3: memref<327680xi32, #tpu.memory_space<hbm>>, %arg4: memref<327680xi32, #tpu.memory_space<hbm>>, %arg5: memref<10112x128xf32, #tpu.memory_space<hbm>>, %arg6: memref<2x10112x128xf32, #tpu.memory_space<hbm>>, %arg7: memref<128xi32, #tpu.memory_space<vmem>>, %arg8: memref<128xi32, #tpu.memory_space<vmem>>, %arg9: memref<128x128xf32, #tpu.memory_space<vmem>>, %arg10: memref<10112x128xf32, #tpu.memory_space<vmem_shared>>, %arg11: memref<!tpu.dma_semaphore, #tpu.memory_space<semaphore_mem>>) attributes {dimension_semantics = [#tpu.dimension_semantics<core_parallel>, #tpu.dimension_semantics<subcore_parallel>], iteration_bounds = array<i64: 2, 16>, scalar_prefetch = 0 : i64, scratch_operands = 5 : i64, tpu.core_type = #tpu.core_type<sc_vector_subcore>, window_params = [{transform_indices = #map}, {transform_indices = #map1}, {transform_indices = #map1}, {transform_indices = #map}, {transform_indices = #map2}]} {
    %mul3A = arith.constant 632 : i32
    %mul3A_0 = arith.muli %arg1, %mul3A : i32
    %mul3A_1 = arith.constant 632 : i32
    %mul3A_2 = arith.muli %arg1, %mul3A_1 : i32
    "tpu.region"() ({
      %run_scoped3A = tpu.sem_alloc : memref<!tpu.dma_semaphore, #tpu.memory_space<semaphore_mem>>
      %dma_start3A = arith.constant 0 : i32
      %dma_start3A_17 = tpu.memref_slice %arg10[%mul3A_2, %dma_start3A] : memref<10112x128xf32, #tpu.memory_space<vmem_shared>> -> memref<632x128xf32, #tpu.memory_space<vmem_shared>>
      %dma_start3A_18 = arith.constant 0 : i32
      %dma_start3A_19 = tpu.memref_slice %arg5[%mul3A_0, %dma_start3A_18] : memref<10112x128xf32, #tpu.memory_space<hbm>> -> memref<632x128xf32, #tpu.memory_space<hbm>>
      tpu.enqueue_dma source(%dma_start3A_19 : memref<632x128xf32, #tpu.memory_space<hbm>>) target(%dma_start3A_17 : memref<632x128xf32, #tpu.memory_space<vmem_shared>>) target_semaphore(%run_scoped3A : memref<!tpu.dma_semaphore, #tpu.memory_space<semaphore_mem>>)
      %dma_wait3A = arith.constant 0 : i32
      %dma_wait3A_20 = tpu.memref_slice %arg10[%mul3A_2, %dma_wait3A] : memref<10112x128xf32, #tpu.memory_space<vmem_shared>> -> memref<632x128xf32, #tpu.memory_space<vmem_shared>>
      %dma_wait3A_21 = arith.constant 0 : i32
      %dma_wait3A_22 = tpu.memref_slice %arg5[%mul3A_0, %dma_wait3A_21] : memref<10112x128xf32, #tpu.memory_space<hbm>> -> memref<632x128xf32, #tpu.memory_space<hbm>>
      tpu.wait_dma2 semaphore(%run_scoped3A : memref<!tpu.dma_semaphore, #tpu.memory_space<semaphore_mem>>) src(%dma_wait3A_22 : memref<632x128xf32, #tpu.memory_space<hbm>>) dst(%dma_wait3A_20 : memref<632x128xf32, #tpu.memory_space<vmem_shared>>)
      tpu.yield
    }) : () -> ()
    %barrier3A = arith.constant 0 : index
    tpu.barrier barrier_id(%barrier3A)
    %mul3A_3 = arith.constant 16 : i32
    %mul3A_4 = arith.muli %arg0, %mul3A_3 : i32
    %add3A = arith.addi %mul3A_4, %arg1 : i32
    %mul3A_5 = arith.constant 10240 : i32
    %mul3A_6 = arith.muli %add3A, %mul3A_5 : i32
    %scan3A = arith.constant 0 : i32
    %scan3A_7 = arith.constant 0 : i32
    %scan3A_8 = arith.constant 80 : i32
    %scan3A_9 = arith.addi %scan3A_7, %scan3A_8 : i32
    %scan3A_10 = arith.constant 1 : i32
    scf.for %scan3A_17 = %scan3A_7 to %scan3A_9 step %scan3A_10  : i32 {
      %mul3A_18 = arith.constant 128 : i32
      %mul3A_19 = arith.muli %scan3A_17, %mul3A_18 : i32
      %add3A_20 = arith.addi %mul3A_6, %mul3A_19 : i32
      "tpu.region"() ({
        %run_scoped3A = tpu.sem_alloc : memref<!tpu.dma_semaphore, #tpu.memory_space<semaphore_mem>>
        %dma_start3A_25 = tpu.memref_slice %arg3[%add3A_20] : memref<327680xi32, #tpu.memory_space<hbm>> -> memref<128xi32, #tpu.memory_space<hbm>>
        %dma_start3A_26 = tpu.memref_slice %arg3[%add3A_20] : memref<327680xi32, #tpu.memory_space<hbm>> -> memref<128xi32, #tpu.memory_space<hbm>>
        tpu.enqueue_dma source(%dma_start3A_26 : memref<128xi32, #tpu.memory_space<hbm>>) target(%arg7 : memref<128xi32, #tpu.memory_space<vmem>>) target_semaphore(%run_scoped3A : memref<!tpu.dma_semaphore, #tpu.memory_space<semaphore_mem>>)
        %dma_wait3A_27 = tpu.memref_slice %arg3[%add3A_20] : memref<327680xi32, #tpu.memory_space<hbm>> -> memref<128xi32, #tpu.memory_space<hbm>>
        %dma_wait3A_28 = tpu.memref_slice %arg3[%add3A_20] : memref<327680xi32, #tpu.memory_space<hbm>> -> memref<128xi32, #tpu.memory_space<hbm>>
        tpu.wait_dma2 semaphore(%run_scoped3A : memref<!tpu.dma_semaphore, #tpu.memory_space<semaphore_mem>>) src(%dma_wait3A_28 : memref<128xi32, #tpu.memory_space<hbm>>) dst(%arg7 : memref<128xi32, #tpu.memory_space<vmem>>)
        tpu.yield
      }) : () -> ()
      "tpu.region"() ({
        %run_scoped3A = tpu.sem_alloc : memref<!tpu.dma_semaphore, #tpu.memory_space<semaphore_mem>>
        %dma_start3A_25 = tpu.memref_slice %arg4[%add3A_20] : memref<327680xi32, #tpu.memory_space<hbm>> -> memref<128xi32, #tpu.memory_space<hbm>>
        %dma_start3A_26 = tpu.memref_slice %arg4[%add3A_20] : memref<327680xi32, #tpu.memory_space<hbm>> -> memref<128xi32, #tpu.memory_space<hbm>>
        tpu.enqueue_dma source(%dma_start3A_26 : memref<128xi32, #tpu.memory_space<hbm>>) target(%arg8 : memref<128xi32, #tpu.memory_space<vmem>>) target_semaphore(%run_scoped3A : memref<!tpu.dma_semaphore, #tpu.memory_space<semaphore_mem>>)
        %dma_wait3A_27 = tpu.memref_slice %arg4[%add3A_20] : memref<327680xi32, #tpu.memory_space<hbm>> -> memref<128xi32, #tpu.memory_space<hbm>>
        %dma_wait3A_28 = tpu.memref_slice %arg4[%add3A_20] : memref<327680xi32, #tpu.memory_space<hbm>> -> memref<128xi32, #tpu.memory_space<hbm>>
        tpu.wait_dma2 semaphore(%run_scoped3A : memref<!tpu.dma_semaphore, #tpu.memory_space<semaphore_mem>>) src(%dma_wait3A_28 : memref<128xi32, #tpu.memory_space<hbm>>) dst(%arg8 : memref<128xi32, #tpu.memory_space<vmem>>)
        tpu.yield
      }) : () -> ()
      %dma_start3A = arith.constant 0 : i32
      %dma_start3A_21 = arith.constant 0 : i32
      %dma_start3A_22 = tpu.memref_slice %arg2[%dma_start3A, %dma_start3A_21] : memref<10000x128xf32, #tpu.memory_space<hbm>> -> memref<10000x128xf32, #tpu.memory_space<hbm>>
      tpu.enqueue_indirect_dma source(%dma_start3A_22 : memref<10000x128xf32, #tpu.memory_space<hbm>>) target(%arg9 : memref<128x128xf32, #tpu.memory_space<vmem>>) offsets(%arg7 : memref<128xi32, #tpu.memory_space<vmem>>) semaphore(%arg11 : memref<!tpu.dma_semaphore, #tpu.memory_space<semaphore_mem>>)
      %dma_wait3A = arith.constant 0 : i32
      %dma_wait3A_23 = arith.constant 0 : i32
      %dma_wait3A_24 = tpu.memref_slice %arg2[%dma_wait3A, %dma_wait3A_23] : memref<10000x128xf32, #tpu.memory_space<hbm>> -> memref<10000x128xf32, #tpu.memory_space<hbm>>
      tpu.wait_indirect_dma semaphore(%arg11 : memref<!tpu.dma_semaphore, #tpu.memory_space<semaphore_mem>>) src(%dma_wait3A_24 : memref<10000x128xf32, #tpu.memory_space<hbm>>) dst(%arg9 : memref<128x128xf32, #tpu.memory_space<vmem>>)
      "tpu.region"() ({
        %run_scoped3A = tpu.sem_alloc : memref<!tpu.dma_semaphore, #tpu.memory_space<semaphore_mem>>
        %dma_start3A_25 = arith.constant 0 : i32
        %dma_start3A_26 = arith.constant 0 : i32
        %dma_start3A_27 = tpu.memref_slice %arg10[%dma_start3A_25, %dma_start3A_26] : memref<10112x128xf32, #tpu.memory_space<vmem_shared>> -> memref<10112x128xf32, #tpu.memory_space<vmem_shared>>
        tpu.enqueue_indirect_dma source(%arg9 : memref<128x128xf32, #tpu.memory_space<vmem>>) target(%dma_start3A_27 : memref<10112x128xf32, #tpu.memory_space<vmem_shared>>) offsets(%arg8 : memref<128xi32, #tpu.memory_space<vmem>>) semaphore(%run_scoped3A : memref<!tpu.dma_semaphore, #tpu.memory_space<semaphore_mem>>) {add = true}
        %dma_wait3A_28 = arith.constant 0 : i32
        %dma_wait3A_29 = arith.constant 0 : i32
        %dma_wait3A_30 = tpu.memref_slice %arg10[%dma_wait3A_28, %dma_wait3A_29] : memref<10112x128xf32, #tpu.memory_space<vmem_shared>> -> memref<10112x128xf32, #tpu.memory_space<vmem_shared>>
        tpu.wait_indirect_dma semaphore(%run_scoped3A : memref<!tpu.dma_semaphore, #tpu.memory_space<semaphore_mem>>) src(%arg9 : memref<128x128xf32, #tpu.memory_space<vmem>>) dst(%dma_wait3A_30 : memref<10112x128xf32, #tpu.memory_space<vmem_shared>>)
        tpu.yield
      }) : () -> ()
    }
    %scan3A_11 = arith.constant 80 : i32
    %barrier3A_12 = arith.constant 0 : index
    tpu.barrier barrier_id(%barrier3A_12)
    %mul3A_13 = arith.constant 632 : i32
    %mul3A_14 = arith.muli %arg1, %mul3A_13 : i32
    %mul3A_15 = arith.constant 632 : i32
    %mul3A_16 = arith.muli %arg1, %mul3A_15 : i32
    "tpu.region"() ({
      %run_scoped3A = tpu.sem_alloc : memref<!tpu.dma_semaphore, #tpu.memory_space<semaphore_mem>>
      %dma_start3A = arith.constant 0 : i32
      %dma_start3A_17 = tpu.memref_slice %arg6[%arg0, %mul3A_16, %dma_start3A] : memref<2x10112x128xf32, #tpu.memory_space<hbm>> -> memref<1x632x128xf32, #tpu.memory_space<hbm>>
      %dma_start3A_18 = tpu.memref_squeeze %dma_start3A_17 : memref<1x632x128xf32, #tpu.memory_space<hbm>> -> memref<632x128xf32, #tpu.memory_space<hbm>>
      %dma_start3A_19 = arith.constant 0 : i32
      %dma_start3A_20 = tpu.memref_slice %arg10[%mul3A_14, %dma_start3A_19] : memref<10112x128xf32, #tpu.memory_space<vmem_shared>> -> memref<632x128xf32, #tpu.memory_space<vmem_shared>>
      tpu.enqueue_dma source(%dma_start3A_20 : memref<632x128xf32, #tpu.memory_space<vmem_shared>>) target(%dma_start3A_18 : memref<632x128xf32, #tpu.memory_space<hbm>>) target_semaphore(%run_scoped3A : memref<!tpu.dma_semaphore, #tpu.memory_space<semaphore_mem>>)
      %dma_wait3A = arith.constant 0 : i32
      %dma_wait3A_21 = tpu.memref_slice %arg6[%arg0, %mul3A_16, %dma_wait3A] : memref<2x10112x128xf32, #tpu.memory_space<hbm>> -> memref<1x632x128xf32, #tpu.memory_space<hbm>>
      %dma_wait3A_22 = tpu.memref_squeeze %dma_wait3A_21 : memref<1x632x128xf32, #tpu.memory_space<hbm>> -> memref<632x128xf32, #tpu.memory_space<hbm>>
      %dma_wait3A_23 = arith.constant 0 : i32
      %dma_wait3A_24 = tpu.memref_slice %arg10[%mul3A_14, %dma_wait3A_23] : memref<10112x128xf32, #tpu.memory_space<vmem_shared>> -> memref<632x128xf32, #tpu.memory_space<vmem_shared>>
      tpu.wait_dma2 semaphore(%run_scoped3A : memref<!tpu.dma_semaphore, #tpu.memory_space<semaphore_mem>>) src(%dma_wait3A_24 : memref<632x128xf32, #tpu.memory_space<vmem_shared>>) dst(%dma_wait3A_22 : memref<632x128xf32, #tpu.memory_space<hbm>>)
      tpu.yield
    }) : () -> ()
    return
  }
}

module attributes {stable_mosaic.version = 14 : i64} {
  func.func @_tc_first_body(%arg0: i32, %arg1: memref<2x1000x16xf32, #tpu.memory_space<vmem>>, %arg2: memref<1000x128xf32, #tpu.memory_space<vmem>>, %arg3: memref<128x128xf32, #tpu.memory_space<vmem>>, %arg4: memref<1000x128xf32, #tpu.memory_space<vmem>>, %arg5: memref<1000x128xf32, #tpu.memory_space<vmem>>) attributes {dimension_semantics = [#tpu.dimension_semantics<arbitrary>], iteration_bounds = array<i64: 10>, scalar_prefetch = 0 : i64, scratch_operands = 0 : i64, tpu.core_type = #tpu.core_type<tc>, window_params = [{transform_indices = @transform_0, window_bounds = array<i64: 2, 1000, 16>}, {transform_indices = @transform_1, window_bounds = array<i64: 1000, 128>}, {pipeline_mode = #tpu.pipeline_mode<synchronous>, transform_indices = @transform_2, window_bounds = array<i64: 128, 128>}, {transform_indices = @transform_3, window_bounds = array<i64: 1000, 128>}, {transform_indices = @transform_4, window_bounds = array<i64: 1000, 128>}]} {
    %get3A = arith.constant 0 : index
    %get3A_0 = arith.constant 0 : index
    %get3A_1 = arith.constant 0 : index
    %get3A_2 = vector.load %arg1[%get3A, %get3A_0, %get3A_1] : memref<2x1000x16xf32, #tpu.memory_space<vmem>>, vector<1x1000x16xf32>
    %get3A_3 = vector.shape_cast %get3A_2 : vector<1x1000x16xf32> to vector<1000x16xf32>
    %get3A_4 = arith.constant 1 : index
    %get3A_5 = arith.constant 0 : index
    %get3A_6 = arith.constant 0 : index
    %get3A_7 = vector.load %arg1[%get3A_4, %get3A_5, %get3A_6] : memref<2x1000x16xf32, #tpu.memory_space<vmem>>, vector<1x1000x16xf32>
    %get3A_8 = vector.shape_cast %get3A_7 : vector<1x1000x16xf32> to vector<1000x16xf32>
    %add3A = arith.addf %get3A_3, %get3A_8 : vector<1000x16xf32>
    %add3A_9 = arith.constant 1.000000e+00 : f32
    %add3A_10 = vector.broadcast %add3A_9 : f32 to vector<1000x16xf32>
    %add3A_11 = arith.addf %add3A, %add3A_10 : vector<1000x16xf32>
    %rsqrt3A = math.rsqrt %add3A_11 : vector<1000x16xf32>
    %tile3A = tpu.concatenate %rsqrt3A, %rsqrt3A, %rsqrt3A, %rsqrt3A, %rsqrt3A, %rsqrt3A, %rsqrt3A, %rsqrt3A in 1 : vector<1000x16xf32>, vector<1000x16xf32>, vector<1000x16xf32>, vector<1000x16xf32>, vector<1000x16xf32>, vector<1000x16xf32>, vector<1000x16xf32>, vector<1000x16xf32> -> vector<1000x128xf32>
    %get3A_12 = arith.constant 0 : index
    %get3A_13 = arith.constant 0 : index
    %get3A_14 = vector.load %arg2[%get3A_12, %get3A_13] : memref<1000x128xf32, #tpu.memory_space<vmem>>, vector<1000x128xf32>
    %get3A_15 = arith.constant 0 : index
    %get3A_16 = arith.constant 0 : index
    %get3A_17 = vector.load %arg3[%get3A_15, %get3A_16] : memref<128x128xf32, #tpu.memory_space<vmem>>, vector<128x128xf32>
    %dot_general3A = arith.constant dense<0.000000e+00> : vector<1000x128xf32>
    %dot_general3A_18 = tpu.matmul %get3A_14, %get3A_17, %dot_general3A {dimension_numbers = #tpu.dot_dimension_numbers<[1], [0], [0], [1], [0, 0, 1, 1], [], []>, transpose_lhs_hint = false} : vector<1000x128xf32>, vector<128x128xf32>, vector<1000x128xf32> -> vector<1000x128xf32>
    %swap3A = arith.constant 0 : index
    %swap3A_19 = arith.constant 0 : index
    %swap3A_20 = vector.load %arg5[%swap3A, %swap3A_19] : memref<1000x128xf32, #tpu.memory_space<vmem>>, vector<1000x128xf32>
    tpu.vector_store %arg5[%swap3A, %swap3A_19], %tile3A {strides = array<i32>} : memref<1000x128xf32, #tpu.memory_space<vmem>>, vector<1000x128xf32>,
    %mul3A = arith.mulf %dot_general3A_18, %tile3A : vector<1000x128xf32>
    %swap3A_21 = arith.constant 0 : index
    %swap3A_22 = arith.constant 0 : index
    %swap3A_23 = vector.load %arg4[%swap3A_21, %swap3A_22] : memref<1000x128xf32, #tpu.memory_space<vmem>>, vector<1000x128xf32>
    tpu.vector_store %arg4[%swap3A_21, %swap3A_22], %mul3A {strides = array<i32>} : memref<1000x128xf32, #tpu.memory_space<vmem>>, vector<1000x128xf32>,
    return
  }
  func.func @transform_0(%arg0: i32) -> (i32, i32, i32) {
    %c0_i32 = arith.constant 0 : i32
    %c0_i32_0 = arith.constant 0 : i32
    %c0_i32_1 = arith.constant 0 : i32
    return %c0_i32, %arg0, %c0_i32_0 : i32, i32, i32
  }
  func.func @transform_1(%arg0: i32) -> (i32, i32) {
    %c0_i32 = arith.constant 0 : i32
    %c0_i32_0 = arith.constant 0 : i32
    return %arg0, %c0_i32 : i32, i32
  }
  func.func @transform_2(%arg0: i32) -> (i32, i32) {
    %c0_i32 = arith.constant 0 : i32
    %c0_i32_0 = arith.constant 0 : i32
    %c0_i32_1 = arith.constant 0 : i32
    return %c0_i32, %c0_i32_0 : i32, i32
  }
  func.func @transform_3(%arg0: i32) -> (i32, i32) {
    %c0_i32 = arith.constant 0 : i32
    %c0_i32_0 = arith.constant 0 : i32
    return %arg0, %c0_i32 : i32, i32
  }
  func.func @transform_4(%arg0: i32) -> (i32, i32) {
    %c0_i32 = arith.constant 0 : i32
    %c0_i32_0 = arith.constant 0 : i32
    return %arg0, %c0_i32 : i32, i32
  }
}

module attributes {stable_mosaic.version = 14 : i64} {
  func.func @_tc_mid_body(%arg0: i32, %arg1: memref<1000x128xf32, #tpu.memory_space<vmem>>, %arg2: memref<2x1000x128xf32, #tpu.memory_space<vmem>>, %arg3: memref<1000x128xf32, #tpu.memory_space<vmem>>, %arg4: memref<128x128xf32, #tpu.memory_space<vmem>>, %arg5: memref<1x128xf32, #tpu.memory_space<vmem>>, %arg6: memref<1000x128xf32, #tpu.memory_space<vmem>>) attributes {dimension_semantics = [#tpu.dimension_semantics<arbitrary>], iteration_bounds = array<i64: 10>, scalar_prefetch = 0 : i64, scratch_operands = 0 : i64, tpu.core_type = #tpu.core_type<tc>, window_params = [{transform_indices = @transform_0, window_bounds = array<i64: 1000, 128>}, {transform_indices = @transform_1, window_bounds = array<i64: 2, 1000, 128>}, {transform_indices = @transform_2, window_bounds = array<i64: 1000, 128>}, {pipeline_mode = #tpu.pipeline_mode<synchronous>, transform_indices = @transform_3, window_bounds = array<i64: 128, 128>}, {pipeline_mode = #tpu.pipeline_mode<synchronous>, transform_indices = @transform_4, window_bounds = array<i64: 1, 128>}, {transform_indices = @transform_5, window_bounds = array<i64: 1000, 128>}]} {
    %get3A = arith.constant 0 : index
    %get3A_0 = arith.constant 0 : index
    %get3A_1 = vector.load %arg1[%get3A, %get3A_0] : memref<1000x128xf32, #tpu.memory_space<vmem>>, vector<1000x128xf32>
    %get3A_2 = arith.constant 0 : index
    %get3A_3 = arith.constant 0 : index
    %get3A_4 = arith.constant 0 : index
    %get3A_5 = vector.load %arg2[%get3A_2, %get3A_3, %get3A_4] : memref<2x1000x128xf32, #tpu.memory_space<vmem>>, vector<1x1000x128xf32>
    %get3A_6 = vector.shape_cast %get3A_5 : vector<1x1000x128xf32> to vector<1000x128xf32>
    %get3A_7 = arith.constant 1 : index
    %get3A_8 = arith.constant 0 : index
    %get3A_9 = arith.constant 0 : index
    %get3A_10 = vector.load %arg2[%get3A_7, %get3A_8, %get3A_9] : memref<2x1000x128xf32, #tpu.memory_space<vmem>>, vector<1x1000x128xf32>
    %get3A_11 = vector.shape_cast %get3A_10 : vector<1x1000x128xf32> to vector<1000x128xf32>
    %add3A = arith.addf %get3A_6, %get3A_11 : vector<1000x128xf32>
    %get3A_12 = arith.constant 0 : index
    %get3A_13 = arith.constant 0 : index
    %get3A_14 = vector.load %arg3[%get3A_12, %get3A_13] : memref<1000x128xf32, #tpu.memory_space<vmem>>, vector<1000x128xf32>
    %add3A_15 = arith.addf %add3A, %get3A_14 : vector<1000x128xf32>
    %mul3A = arith.mulf %get3A_1, %add3A_15 : vector<1000x128xf32>
    %get3A_16 = arith.constant 0 : index
    %get3A_17 = arith.constant 0 : index
    %get3A_18 = vector.load %arg5[%get3A_16, %get3A_17] : memref<1x128xf32, #tpu.memory_space<vmem>>, vector<1x128xf32>
    %add3A_19 = vector.broadcast %get3A_18 : vector<1x128xf32> to vector<1000x128xf32>
    %add3A_20 = arith.addf %mul3A, %add3A_19 : vector<1000x128xf32>
    %get3A_21 = arith.constant 0 : index
    %get3A_22 = arith.constant 0 : index
    %get3A_23 = vector.load %arg4[%get3A_21, %get3A_22] : memref<128x128xf32, #tpu.memory_space<vmem>>, vector<128x128xf32>
    %dot_general3A = arith.constant dense<0.000000e+00> : vector<1000x128xf32>
    %dot_general3A_24 = tpu.matmul %add3A_20, %get3A_23, %dot_general3A {dimension_numbers = #tpu.dot_dimension_numbers<[1], [0], [0], [1], [0, 0, 1, 1], [], []>, transpose_lhs_hint = false} : vector<1000x128xf32>, vector<128x128xf32>, vector<1000x128xf32> -> vector<1000x128xf32>
    %mul3A_25 = arith.mulf %dot_general3A_24, %get3A_1 : vector<1000x128xf32>
    %swap3A = arith.constant 0 : index
    %swap3A_26 = arith.constant 0 : index
    %swap3A_27 = vector.load %arg6[%swap3A, %swap3A_26] : memref<1000x128xf32, #tpu.memory_space<vmem>>, vector<1000x128xf32>
    tpu.vector_store %arg6[%swap3A, %swap3A_26], %mul3A_25 {strides = array<i32>} : memref<1000x128xf32, #tpu.memory_space<vmem>>, vector<1000x128xf32>,
    return
  }
  func.func @transform_0(%arg0: i32) -> (i32, i32) {
    %c0_i32 = arith.constant 0 : i32
    %c0_i32_0 = arith.constant 0 : i32
    return %arg0, %c0_i32 : i32, i32
  }
  func.func @transform_1(%arg0: i32) -> (i32, i32, i32) {
    %c0_i32 = arith.constant 0 : i32
    %c0_i32_0 = arith.constant 0 : i32
    %c0_i32_1 = arith.constant 0 : i32
    return %c0_i32, %arg0, %c0_i32_0 : i32, i32, i32
  }
  func.func @transform_2(%arg0: i32) -> (i32, i32) {
    %c0_i32 = arith.constant 0 : i32
    %c0_i32_0 = arith.constant 0 : i32
    return %arg0, %c0_i32 : i32, i32
  }
  func.func @transform_3(%arg0: i32) -> (i32, i32) {
    %c0_i32 = arith.constant 0 : i32
    %c0_i32_0 = arith.constant 0 : i32
    %c0_i32_1 = arith.constant 0 : i32
    return %c0_i32, %c0_i32_0 : i32, i32
  }
  func.func @transform_4(%arg0: i32) -> (i32, i32) {
    %c0_i32 = arith.constant 0 : i32
    %c0_i32_0 = arith.constant 0 : i32
    %c0_i32_1 = arith.constant 0 : i32
    return %c0_i32, %c0_i32_0 : i32, i32
  }
  func.func @transform_5(%arg0: i32) -> (i32, i32) {
    %c0_i32 = arith.constant 0 : i32
    %c0_i32_0 = arith.constant 0 : i32
    return %arg0, %c0_i32 : i32, i32
  }
}

module attributes {stable_mosaic.version = 14 : i64} {
  func.func @_tc_last_body(%arg0: i32, %arg1: memref<1000x128xf32, #tpu.memory_space<vmem>>, %arg2: memref<2x1000x128xf32, #tpu.memory_space<vmem>>, %arg3: memref<1000x128xf32, #tpu.memory_space<vmem>>, %arg4: memref<1x128xf32, #tpu.memory_space<vmem>>, %arg5: memref<1000x128xf32, #tpu.memory_space<vmem>>) attributes {dimension_semantics = [#tpu.dimension_semantics<arbitrary>], iteration_bounds = array<i64: 10>, scalar_prefetch = 0 : i64, scratch_operands = 0 : i64, tpu.core_type = #tpu.core_type<tc>, window_params = [{transform_indices = @transform_0, window_bounds = array<i64: 1000, 128>}, {transform_indices = @transform_1, window_bounds = array<i64: 2, 1000, 128>}, {transform_indices = @transform_2, window_bounds = array<i64: 1000, 128>}, {pipeline_mode = #tpu.pipeline_mode<synchronous>, transform_indices = @transform_3, window_bounds = array<i64: 1, 128>}, {transform_indices = @transform_4, window_bounds = array<i64: 1000, 128>}]} {
    %get3A = arith.constant 0 : index
    %get3A_0 = arith.constant 0 : index
    %get3A_1 = vector.load %arg1[%get3A, %get3A_0] : memref<1000x128xf32, #tpu.memory_space<vmem>>, vector<1000x128xf32>
    %get3A_2 = arith.constant 0 : index
    %get3A_3 = arith.constant 0 : index
    %get3A_4 = arith.constant 0 : index
    %get3A_5 = vector.load %arg2[%get3A_2, %get3A_3, %get3A_4] : memref<2x1000x128xf32, #tpu.memory_space<vmem>>, vector<1x1000x128xf32>
    %get3A_6 = vector.shape_cast %get3A_5 : vector<1x1000x128xf32> to vector<1000x128xf32>
    %get3A_7 = arith.constant 1 : index
    %get3A_8 = arith.constant 0 : index
    %get3A_9 = arith.constant 0 : index
    %get3A_10 = vector.load %arg2[%get3A_7, %get3A_8, %get3A_9] : memref<2x1000x128xf32, #tpu.memory_space<vmem>>, vector<1x1000x128xf32>
    %get3A_11 = vector.shape_cast %get3A_10 : vector<1x1000x128xf32> to vector<1000x128xf32>
    %add3A = arith.addf %get3A_6, %get3A_11 : vector<1000x128xf32>
    %get3A_12 = arith.constant 0 : index
    %get3A_13 = arith.constant 0 : index
    %get3A_14 = vector.load %arg3[%get3A_12, %get3A_13] : memref<1000x128xf32, #tpu.memory_space<vmem>>, vector<1000x128xf32>
    %add3A_15 = arith.addf %add3A, %get3A_14 : vector<1000x128xf32>
    %mul3A = arith.mulf %get3A_1, %add3A_15 : vector<1000x128xf32>
    %get3A_16 = arith.constant 0 : index
    %get3A_17 = arith.constant 0 : index
    %get3A_18 = vector.load %arg4[%get3A_16, %get3A_17] : memref<1x128xf32, #tpu.memory_space<vmem>>, vector<1x128xf32>
    %add3A_19 = vector.broadcast %get3A_18 : vector<1x128xf32> to vector<1000x128xf32>
    %add3A_20 = arith.addf %mul3A, %add3A_19 : vector<1000x128xf32>
    %mul3A_21 = arith.constant 5.000000e-01 : f32
    %mul3A_22 = vector.broadcast %mul3A_21 : f32 to vector<1000x128xf32>
    %mul3A_23 = arith.mulf %mul3A_22, %add3A_20 : vector<1000x128xf32>
    %mul3A_24 = arith.constant 0.707106769 : f32
    %mul3A_25 = vector.broadcast %mul3A_24 : f32 to vector<1000x128xf32>
    %mul3A_26 = arith.mulf %add3A_20, %mul3A_25 : vector<1000x128xf32>
    %erf3A = math.erf %mul3A_26 : vector<1000x128xf32>
    %add3A_27 = arith.constant 1.000000e+00 : f32
    %add3A_28 = vector.broadcast %add3A_27 : f32 to vector<1000x128xf32>
    %add3A_29 = arith.addf %add3A_28, %erf3A : vector<1000x128xf32>
    %mul3A_30 = arith.mulf %mul3A_23, %add3A_29 : vector<1000x128xf32>
    %swap3A = arith.constant 0 : index
    %swap3A_31 = arith.constant 0 : index
    %swap3A_32 = vector.load %arg5[%swap3A, %swap3A_31] : memref<1000x128xf32, #tpu.memory_space<vmem>>, vector<1000x128xf32>
    tpu.vector_store %arg5[%swap3A, %swap3A_31], %mul3A_30 {strides = array<i32>} : memref<1000x128xf32, #tpu.memory_space<vmem>>, vector<1000x128xf32>,
    return
  }
  func.func @transform_0(%arg0: i32) -> (i32, i32) {
    %c0_i32 = arith.constant 0 : i32
    %c0_i32_0 = arith.constant 0 : i32
    return %arg0, %c0_i32 : i32, i32
  }
  func.func @transform_1(%arg0: i32) -> (i32, i32, i32) {
    %c0_i32 = arith.constant 0 : i32
    %c0_i32_0 = arith.constant 0 : i32
    %c0_i32_1 = arith.constant 0 : i32
    return %c0_i32, %arg0, %c0_i32_0 : i32, i32, i32
  }
  func.func @transform_2(%arg0: i32) -> (i32, i32) {
    %c0_i32 = arith.constant 0 : i32
    %c0_i32_0 = arith.constant 0 : i32
    return %arg0, %c0_i32 : i32, i32
  }
  func.func @transform_3(%arg0: i32) -> (i32, i32) {
    %c0_i32 = arith.constant 0 : i32
    %c0_i32_0 = arith.constant 0 : i32
    %c0_i32_1 = arith.constant 0 : i32
    return %c0_i32, %c0_i32_0 : i32, i32
  }
  func.func @transform_4(%arg0: i32) -> (i32, i32) {
    %c0_i32 = arith.constant 0 : i32
    %c0_i32_0 = arith.constant 0 : i32
    return %arg0, %c0_i32 : i32, i32
  }
}

</mosaic_0001>

<sc_bundles>
// kernel: kernel.10.cloned.1.call-start
scs
__scs_entry_jumppad:
0x0: {  	(pc) =	sbr.rel $0x88, $3  }
0x1: {  	(tag) =	ssettag $0x0;
	lr =	simm.s32 $0x1  }
0x2: {  	[smem:$0x3F99] =	sst lr;
	_ =	strace $0xD0000000  }
0x3: {  	_ = 	snop  }
0x4: {  	_ = 	snop  }
0x5: {  	_ = 	snop  }
0x6: {  	_ = 	snop  }
0x7: {  	_ = 	snop  }
__scs_overlays_trampoline_lowered:
0x8: {  	[smem:$0x3FA8] =	sst s0  }
0x9: {  	[smem:$0x3FA9] =	sst s1  }
0xa: {  	[smem:$0x3FAA] =	sst s2  }
0xb: {  	[smem:$0x3FAB] =	sst s3  }
0xc: {  	[smem:$0x3FAC] =	sst s4  }
0xd: {  	[smem:$0x3FAD] =	sst s5  }
0xe: {  	[smem:$0x3FAE] =	sst s6  }
0xf: {  	[smem:$0x3FAF] =	sst s7  }
0x10: {  	[smem:$0x3FB0] =	sst s8  }
0x11: {  	[smem:$0x3FB1] =	sst s9;
	s0 =	simm.s32 @!p0 $0x0  }
0x12: {  	s1 =	sld [smem:$0x3F97];
	s0 =	simm.s32 @p0 $0x1  }
0x13: {  	[smem:$0x3FB2] =	sst s0;
	s0 =	simm.s32 @!p1 $0x0  }
0x14: {  	s2 =	sld [smem:$0x3F96];
	s0 =	simm.s32 @p1 $0x1  }
0x15: {  	[smem:$0x3FB3] =	sst s0;
	s0 =	simm.s32 @!p2 $0x0  }
0x16: {  	s3 =	sld [smem:$0x3FDB];
	s0 =	simm.s32 @p2 $0x1  }
0x17: {  	s4 =	simm.s32 $0x1BF5;
	[smem:$0x3FB5] =	sst s0  }
0x18: {  	s0 =	sld [smem:$0x3F98];
	_ =	swait.ge [sflag:s4], $0x0  }
0x19: {  	s7 =	sld [smem:$0x3F99]  }
0x1a: {  	s8 =	sadd.s32 $0xFFFFE003, lr  }
0x1b: {  	s9 =	sadd.s32 $0xFFFFFEF7, lr;
	s5 =	simm.s32 $0xFFFFFFFF;
	p2 =	slt.u32 s8, $0xFFFFF086  }
0x1c: {  	p1 =	slt.u32 s9, $0xF7A;
	s5 =	simm.s32 @!p2 $0x0  }
0x1d: {  	s5 =	simm.s32 @p1 $0x1;
	p0 =	seq.s32 s7, s2  }
0x1e: {  	s7 =	smul.u32 @!p0 $0xF7A, s2;
	p2 =	seq.s32 @!p0 s5, $0x0  }
0x1f: {  	s9 =	smul.u32 $0xF7A, s1;
	s8 =	simm.s32 @!p0 $0x1BF5;
	p2 =	por !p2, p0  }
0x20: {  	[sflag:s8] =	ssyncset.s32 @!p0 $0xFFFFF086;
	s6 =	sadd.s32 @!p0 s3, s7;
	s7 =	simm.s32 @!p0 $0x108  }
0x21: {  	s3 =	sadd.s32 s3, s9;
	s6 =	sadd.s32 @!p0 $0x88, s6;
	s7 =	simm.s32 @p2 $0x1082  }
0x22: {  	[simem:s7], [sflag:s8] =	dma.local @!p0 [hbm:s6], $0xF7A  }
0x23: {  	s9 =	sor.u32 $0xD0000000, s2;
	s6 =	simm.s32 $0x108;
	_ =	swait.ge @!p0 [sflag:s8], $0x0  }
0x24: {  	s3 =	sadd.s32 $0x88, s3;
	s6 =	simm.s32 @!p1 $0x1082;
	[sflag:s4] =	ssyncset.s32 $0xFFFFF086  }
0x25: {  	[simem:s6], [sflag:s4] =	dma.local [hbm:s3], $0xF7A  }
0x26: {  	[smem:$0x3F99] =	sst s1;
	(tag) =	ssettag s2;
	_ =	strace s9  }
0x27: {  	s1 =	sld [smem:$0x3FA9]  }
0x28: {  	s2 =	sld [smem:$0x3FAA]  }
0x29: {  	s4 =	sld [smem:$0x3FAC]  }
0x2a: {  	p0 =	seq.s32 s5, $0x0;
	s5 =	sld [smem:$0x3FAD]  }
0x2b: {  	s6 =	sld [smem:$0x3FAE]  }
0x2c: {  	s7 =	sld [smem:$0x3FAF]  }
0x2d: {  	s3 =	simm.s32 $0x108;
	s8 =	sld [smem:$0x3FB0]  }
0x2e: {  	s3 =	simm.s32 @!p0 $0x1082;
	s9 =	sld [smem:$0x3FB1]  }
0x2f: {  	lr =	sadd.s32 s0, s3;
	s0 =	sld [smem:$0x3FA8]  }
0x30: {  	s3 =	sld [smem:$0x3FAB]  }
0x31: {  	[smem:$0x3FB4] =	sst s10  }
0x32: {  	s10 =	sld [smem:$0x3FB2];
	_ =	sdelay $0x3  }
0x33: {  	p0 =	seq.s32 s10, $0x1;
	s10 =	sld [smem:$0x3FB4];
	_ =	sdelay $0x3  }
0x34: {  	[smem:$0x3FB4] =	sst s10  }
0x35: {  	s10 =	sld [smem:$0x3FB3];
	_ =	sdelay $0x3  }
0x36: {  	p1 =	seq.s32 s10, $0x1;
	s10 =	sld [smem:$0x3FB4];
	_ =	sdelay $0x3  }
0x37: {  	[smem:$0x3FB4] =	sst s10  }
0x38: {  	s10 =	sld [smem:$0x3FB5]  }
0x39: {  	_ = 	snop;
	(pc) =	sbr.ind lr, $3  }
0x3a: {  	_ = 	snop  }
0x3b: {  	_ = 	snop  }
0x3c: {  	p2 =	seq.s32 s10, $0x1;
	s10 =	sld [smem:$0x3FB4]  }
0x3d: {  	_ =	shalt  }
0x3e: {  	_ =	shalt  }
0x3f: {  	_ =	shalt  }
0x40: {  	_ =	shalt  }
0x41: {  	_ =	shalt  }
0x42: {  	_ =	shalt  }
0x43: {  	_ =	shalt  }
0x44: {  	_ =	shalt  }
0x45: {  	_ =	shalt  }
0x46: {  	_ =	shalt  }
0x47: {  	_ =	shalt  }
0x48: {  	_ =	shalt  }
0x49: {  	_ =	shalt  }
0x4a: {  	_ =	shalt  }
0x4b: {  	_ =	shalt  }
0x4c: {  	_ =	shalt  }
0x4d: {  	_ =	shalt  }
0x4e: {  	_ =	shalt  }
0x4f: {  	_ =	shalt  }
0x50: {  	_ =	shalt  }
0x51: {  	_ =	shalt  }
0x52: {  	_ =	shalt  }
0x53: {  	_ =	shalt  }
0x54: {  	_ =	shalt  }
0x55: {  	_ =	shalt  }
0x56: {  	_ =	shalt  }
0x57: {  	_ =	shalt  }
0x58: {  	_ =	shalt  }
0x59: {  	_ =	shalt  }
0x5a: {  	_ =	shalt  }
0x5b: {  	_ =	shalt  }
0x5c: {  	_ =	shalt  }
0x5d: {  	_ =	shalt  }
0x5e: {  	_ =	shalt  }
0x5f: {  	_ =	shalt  }
0x60: {  	_ =	shalt  }
0x61: {  	_ =	shalt  }
0x62: {  	_ =	shalt  }
0x63: {  	_ =	shalt  }
0x64: {  	_ =	shalt  }
0x65: {  	_ =	shalt  }
0x66: {  	_ =	shalt  }
0x67: {  	_ =	shalt  }
0x68: {  	_ =	shalt  }
0x69: {  	_ =	shalt  }
0x6a: {  	_ =	shalt  }
0x6b: {  	_ =	shalt  }
0x6c: {  	_ =	shalt  }
0x6d: {  	_ =	shalt  }
0x6e: {  	_ =	shalt  }
0x6f: {  	_ =	shalt  }
0x70: {  	_ =	shalt  }
0x71: {  	_ =	shalt  }
0x72: {  	_ =	shalt  }
0x73: {  	_ =	shalt  }
0x74: {  	_ =	shalt  }
0x75: {  	_ =	shalt  }
0x76: {  	_ =	shalt  }
0x77: {  	_ =	shalt  }
0x78: {  	_ =	shalt  }
0x79: {  	_ =	shalt  }
0x7a: {  	_ =	shalt  }
0x7b: {  	_ =	shalt  }
0x7c: {  	_ =	shalt  }
0x7d: {  	_ =	shalt  }
0x7e: {  	_ =	shalt  }
0x7f: {  	_ =	shalt  }
0x80: {  	_ =	shalt  }
0x81: {  	_ =	shalt  }
0x82: {  	_ =	shalt  }
0x83: {  	_ =	shalt  }
0x84: {  	_ =	shalt  }
0x85: {  	_ =	shalt  }
0x86: {  	_ =	shalt  }
0x87: {  	_ =	shalt  }
.Lfunc_end0:
.L_simem_size_0:
called_computation_lowered:
.L_overlay_start_0:
0x88: {  	s2 =	sld [smem:$0x3FD9]  }
0x89: {  	s3 =	sld [smem:$0x3FFE];
	_ =	sdelay $0x1  }
0x8a: {  	s1 =	srdreg.scid  }
0x8b: {  	s0 =	sand.u32 $0x1, s1  }
0x8c: {  	s16 =	sshll.u32 s0, $0xA;
	s2 =	sadd.s32 s3, s2  }
0x8d: {  	s2 =	sadd.s32 s2, s16  }
0x8e: {  	[smem:$0x3FC0] =	sst s2  }
0x8f: {  	_ = 	snop  }
0x90: {  	(tm) =	ssettm $0x1  }
0x91: {  	s17 =	sld [smem:$0x3FFB];
	_ =	sdelay $0x3  }
0x92: {  	_ =	strace s17  }
0x93: {  	s2 =	sld [smem:$0x3FFC];
	_ =	sdelay $0x3  }
0x94: {  	_ =	strace s2  }
0x95: {  	s2 =	sld [smem:$0x3FFD];
	_ =	sdelay $0x3  }
0x96: {  	_ =	strace s2  }
0x97: {  	_ =	strace $0x8FFFFFFF  }
0x98: {  	s18 =	sld [smem:$0x3FDB];
	_ =	sdelay $0x1  }
0x99: {  	s19 =	simm.s32 $_scs_section_size  }
0x9a: {  	s4 =	simm.s32 $_size__tile_overlayer_lowered;
	s5 =	simm.s32 $_tile_overlayer_lowered  }
0x9b: {  	s22 =	simm.s32 $0x1BFF;
	s21 =	sshll.u32 s5, $0x1;
	s2 =	sadd.s32 s19, s18  }
0x9c: {  	s6 =	simm.s32 $0x0;
	s20 =	sshll.u32 s4, $0x1;
	s4 =	sadd.s32 s21, s2  }
0x9d: {  	[timem:s6], [sflag:s22] =	dma.local [hbm:s4], s20  }
0x9e: {  	_ =	swait.ge [sflag:s22], s20  }
0x9f: {  	s3 =	ssub.s32 $0x0, s20;
	[sflag:s22] =	ssyncset.done $0x0  }
0xa0: {  	[sflag:s22] =	ssyncadd.s32 s3;
	_ =	sdelay $0x1  }
0xa1: {  	s23 =	simm.s32 $0x1B8B  }
0xa2: {  	_ =	swait.ge [sflag:s23], $0x1  }
0xa3: {  	[sflag:s23] =	ssyncset.done $0x0  }
0xa4: {  	s25 =	simm.s32 $0x1B8E;
	s24 =	sld [smem:$0x3FFE];
	[sflag:s23] =	ssyncadd.s32 $0xFFFFFFFF  }
0xa5: {  	s26 =	simm.s32 $execute0_lowered;
	[smem:$0x3FD2] =	sst s25  }
0xa6: {  	s4 =	sshll.u32 s26, $0x1;
	_ =	strace $0x80000046;
	[dreg:$0x1] =	wrdreg $0xFFFFFFFF  }
0xa7: {  	s28 =	simm.s32 $_size_execute0_lowered;
	s2 =	sadd.s32 s2, s4;
	[dreg:$0x0] =	wrdreg $0x0  }
0xa8: {  	s4 =	sshll.u32 s28, $0x1;
	[dreg:$0x2] =	wrdreg s2  }
0xa9: {  	[dreg:$0x3] =	wrdreg s4  }
0xaa: {  	[dreg:$0x4] =	wrdreg $0xC0  }
0xab: {  	_ =	task [dreg:s6], $0x5FFFF  }
0xac: {  	[dreg:$0x1] =	wrdreg $0xFFFFFFFF  }
0xad: {  	[dreg:$0x0] =	wrdreg $0x60  }
0xae: {  	[dreg:$0x2] =	wrdreg s24  }
0xaf: {  	[dreg:$0x3] =	wrdreg $0x40800  }
0xb0: {  	[dreg:$0x4] =	wrdreg $0x9  }
0xb1: {  	_ =	task.clear_ibuf [dreg:s6], $0x5FFFF;
	_ =	strace $0x90000046  }
0xb2: {  	s29 =	simm.s32 $0x9;
	_ =	strace $0x80000048  }
0xb3: {  	_ =	swait.ge [sflag:s29], $0x1  }
0xb4: {  	[sflag:s29] =	ssyncadd.s32 $0xFFFFFFFF  }
0xb5: {  	_ =	strace $0x90000048  }
0xb6: {  	_ =	sfence  }
0xb7: {  	s30 =	sld [smem:$0x0];
	_ =	sdelay $0x2  }
0xb8: {  	s31 =	sshll.u32 s1, $0xD;
	s1 =	sshrl.u32 s1, $0x2  }
0xb9: {  	s3 =	sand.u32 $0x4000, s31;
	s1 =	sadd.s32 s1, s30  }
0xba: {  	s0 =	sor.u32 s3, s0;
	s1 =	sshll.u32 s1, $0x11  }
0xbb: {  	s0 =	sor.u32 s1, s0  }
0xbc: {  	s0 =	sadd.s32 $0x8F2B, s0  }
0xbd: {  	[sflag:s0] =	ssyncadd.remote.s32 $0x1  }
0xbe: {  	_ =	sfence.sel $0xFFFF  }
0xbf: {  	[dreg:$0x0] =	wrdreg $0xFFFFFFFF;
	(pc) =	sbr.abs _section_cstart, $3  }
0xc0: {  	[dreg:$0x1] =	wrdreg $0xFFFFFFFF  }
0xc1: {  	_ =	task.clear_ibuf [dreg:s6], $0x2FFFF;
	_ =	strace $0x9FFFFFFF  }
0xc2: {  	(tm) =	ssettm $0x7FFFFFFF  }
0xc3: {  	_ =	shalt  }
tec
execute0_lowered:
.L_overlay_start_1:
0x0: {  	(tag) =	ssettag $0x1  }
0x1: {  	s4 =	rddreg [dreg:$0x0];
	s1 =	stileid.u32  }
0x2: {  	s0 =	srdreg.scid;
	s7 =	smul.u32 $0x13C00, s1  }
0x3: {  	s2 =	rddreg [dreg:$0x1];
	s26 =	smul.u32 $0x4F000, s1  }
0x4: {  	s3 =	simm.s32 $0x0;
	s5 =	sand.u32 $0x1, s0;
	s30 =	smul.u32 $0x500, s1  }
0x5: {  	s12 =	simm.s32 $0x0;
	s0 =	rddreg [dreg:$0x2];
	s6 =	smul.u32 $0x5000, s5  }
0x6: {  	[smem:$0x7FF] =	sst s3;
	s31 =	sshll.u32 s1, $0x6;
	s8 =	smul.u32 $0x13C000, s5  }
0x7: {  	_ =	strace $0x80000047;
	s5 =	ssub.s32 $0x2, s5;
	s25 =	sshrl.u32 s7, $0x3  }
0x8: {  	s28 =	sshrl.u32 s5, $0x1;
	s29 =	sshrl.u32 s26, $0x2;
	s9 =	sadd.s32 s6, s4  }
0x9: {  	s7 =	sadd.s32 s7, s8;
	s6 =	sadd.s32 s25, s4;
	s10 =	ssub.s32 s5, s28  }
0xa: {  	s11 =	sadd.s32 s29, s2;
	s5 =	sor.u32 $0x1C01, s31;
	s7 =	sshrl.u32 s7, $0x3  }
0xb: {  	s8 =	sadd.s32 s30, s9;
	s9 =	sshrl.u32 s11, $0x3;
	s11 =	simm.s32 $0x80  }
0xc: {  	s7 =	sadd.s32 s7, s4;
	s4 =	sadd.s32 $0xCC00, s6;
	s8 =	sadd.s32 $0x2C00, s8  }
0xd: {  	v0 =	vimm.f32 $1.000000000e+00;
	s6 =	sadd.s32 $0x34400, s7;
	s7 =	smax.u32 s10, $0x1;
	s10 =	simm.s32 $0x1  }
.LBB2_1:
0xe: {  	s13 =	simm.s32 $0x200;
	s14 =	simm.s32 $0x0  }
.LBB2_2:
0xf: {  	p0 =	sne.s32 s13, $0xFE00;
	[tilespmem:s14+$0x80] =	vst v0;
	s14 =	smov.u32 s13;
	s13 =	sadd.s32 $0x200, s13  }
.Ltmp0:
0x10: {  	(pc) =	sbr.rel @p0 .LBB2_2-.Ltmp0, $2  }
0x11: {  	_ =	sdelay $0x2  }
0x12: {  	s14 =	sshra.s32 s14, $0x2  }
0x13: {  	[tilespmem:s14+$0x80] =	vst v0  }
0x14: {  	[spmem:s9], [sflag:s5] =	dma.local [hbm:s4], $0x2780  }
0x15: {  	_ =	swait.ge [sflag:s10], $0x2780  }
0x16: {  	[sflag:s10] =	ssyncset.done $0x0  }
0x17: {  	[sflag:s10] =	ssyncadd.s32 $0xFFFFD880  }
0x18: {  	s13 =	sadd.s32 $0x0, s8;
	[bflag:$0x0] =	sbarrier.arrive $0xFFFF  }
0x19: {  	[tilespmem:s3], [sflag:$0x1] =	stream.linear.gather [hbm4b:s13+s3], $0x80, $0x38;
	[tilespmem:$0x6800] =	vst v63  }
0x1a: {  	_ =	swait.ge [sflag:s10], $0x80  }
0x1b: {  	[sflag:s10] =	ssyncset.done $0x0  }
0x1c: {  	[sflag:s10] =	ssyncadd.s32 $0xFFFFFF80  }
0x1d: {  	[spmem:s2] =	stream.indirect.scatter.add.f32 [tilespmem:s11], [sflag:$0x1], $0x10, s3, s11, $0xb8;
	[tilespmem:$0x6800] =	vst v63  }
0x1e: {  	_ =	swait.ge [sflag:s10], $0x800  }
0x1f: {  	s14 =	simm.s32 $0x20;
	s13 =	simm.s32 $0x10;
	[sflag:s10] =	ssyncset.done $0x0  }
.LBB2_4:
0x20: {  	s15 =	sadd.s32 s13, s8  }
0x21: {  	[sflag:s10] =	ssyncadd.s32 $0xFFFFF800;
	s13 =	smov.u32 s14;
	s16 =	sadd.s32 $0x10, s14  }
0x22: {  	[tilespmem:s3], [sflag:$0x1] =	stream.linear.gather [hbm4b:s15+s3], $0x80, $0x38;
	[tilespmem:$0x6800] =	vst v63  }
0x23: {  	p0 =	sne.s32 s14, $0x4F0;
	_ =	swait.ge [sflag:s10], $0x80  }
.Ltmp1:
0x24: {  	[sflag:s10] =	ssyncset.done $0x0;
	(pc) =	sbr.rel @p0 .LBB2_4-.Ltmp1, $4  }
0x25: {  	[sflag:s10] =	ssyncadd.s32 $0xFFFFFF80  }
0x26: {  	[spmem:s2] =	stream.indirect.scatter.add.f32 [tilespmem:s11], [sflag:$0x1], $0x10, s3, s11, $0xb8;
	[tilespmem:$0x6800] =	vst v63  }
0x27: {  	_ =	swait.ge [sflag:s10], $0x800  }
0x28: {  	s14 =	smov.u32 s16;
	[sflag:s10] =	ssyncset.done $0x0  }
0x29: {  	s13 =	sadd.s32 s13, s8;
	[sflag:s10] =	ssyncadd.s32 $0xFFFFF800  }
0x2a: {  	[tilespmem:s3], [sflag:$0x1] =	stream.linear.gather [hbm4b:s13+s3], $0x80, $0x38;
	[tilespmem:$0x6800] =	vst v63  }
0x2b: {  	_ =	swait.ge [sflag:s10], $0x80  }
0x2c: {  	[sflag:s10] =	ssyncset.done $0x0  }
0x2d: {  	[sflag:s10] =	ssyncadd.s32 $0xFFFFFF80  }
0x2e: {  	[spmem:s2] =	stream.indirect.scatter.add.f32 [tilespmem:s11], [sflag:$0x1], $0x10, s3, s11, $0xb8;
	[tilespmem:$0x6800] =	vst v63  }
0x2f: {  	_ =	swait.ge [sflag:s10], $0x800  }
0x30: {  	s12 =	sadd.s32 $0x1, s12;
	[sflag:s10] =	ssyncset.done $0x0  }
0x31: {  	p0 =	sne.s32 s12, s7;
	[sflag:s10] =	ssyncadd.s32 $0xFFFFF800  }
.Ltmp2:
0x32: {  	[bflag:$0x0] =	sbarrier.arrive $0xFFFF;
	(pc) =	sbr.rel @p0 .LBB2_1-.Ltmp2, $4  }
0x33: {  	[hbm:s6], [sflag:s5] =	dma.local [spmem:s9], $0x2780  }
0x34: {  	_ =	swait.ge [sflag:s10], $0x2780  }
0x35: {  	[sflag:s10] =	ssyncset.done $0x0  }
0x36: {  	[sflag:s10] =	ssyncadd.s32 $0xFFFFD880  }
0x37: {  	_ =	sfence.sel $0x180000  }
0x38: {  	[bflag:$0x0] =	sbarrier.arrive $0xFFFF  }
0x39: {  	p0 =	sne.s32 s1, $0x0;
	_ =	strace $0x90000047  }
0x3a: {  	s0 =	sadd.s32 @!p0 $0x100000, s0;
	[bflag:$0x2] =	sbarrier.arrive $0xFFFF  }
0x3b: {  	[sflag:s0] =	ssyncadd.tile.s32 @!p0 $0x1;
	_ =	shalt  }
.Lfunc_end2:
_tile_overlayer_lowered:
.L_overlay_start_2:
0x3c: {  	(tag) =	ssettag $0x2  }
0x3d: {  	s0 =	rddreg [dreg:$0x0];
	s2 =	stileid.u32  }
0x3e: {  	s1 =	rddreg [dreg:$0x1];
	p0 =	sne.s32 s2, $0x0  }
0x3f: {  	s3 =	rddreg [dreg:$0x2];
	[bflag:$0x3] =	sbarrier.arrive $0xFFFF;
	s2 =	simm.s32 @!p0 $0x1C01  }
0x40: {  	[timem:s3], [sflag:s2] =	dma.local @!p0 [hbm:s0], s1  }
0x41: {  	s0 =	simm.s32 @!p0 $0x1  }
0x42: {  	_ =	swait.ge @!p0 [sflag:s0], s1  }
0x43: {  	s1 =	ssub.s32 @!p0 $0x0, s1;
	[sflag:s0] =	ssyncset.done @!p0 $0x0  }
0x44: {  	[sflag:s0] =	ssyncadd.s32 @!p0 s1  }
0x45: {  	[bflag:$0x3] =	sbarrier.arrive $0xFFFF  }
0x46: {  	_ =	shalt  }

// kernel: kernel.13.cloned.1.call-start
scs
__scs_entry_jumppad:
0x0: {  	(pc) =	sbr.rel $0x88, $3  }
0x1: {  	(tag) =	ssettag $0x0;
	lr =	simm.s32 $0x1  }
0x2: {  	[smem:$0x3F99] =	sst lr;
	_ =	strace $0xD0000000  }
0x3: {  	_ = 	snop  }
0x4: {  	_ = 	snop  }
0x5: {  	_ = 	snop  }
0x6: {  	_ = 	snop  }
0x7: {  	_ = 	snop  }
__scs_overlays_trampoline_lowered:
0x8: {  	[smem:$0x3FA8] =	sst s0  }
0x9: {  	[smem:$0x3FA9] =	sst s1  }
0xa: {  	[smem:$0x3FAA] =	sst s2  }
0xb: {  	[smem:$0x3FAB] =	sst s3  }
0xc: {  	[smem:$0x3FAC] =	sst s4  }
0xd: {  	[smem:$0x3FAD] =	sst s5  }
0xe: {  	[smem:$0x3FAE] =	sst s6  }
0xf: {  	[smem:$0x3FAF] =	sst s7  }
0x10: {  	[smem:$0x3FB0] =	sst s8  }
0x11: {  	[smem:$0x3FB1] =	sst s9;
	s0 =	simm.s32 @!p0 $0x0  }
0x12: {  	s1 =	sld [smem:$0x3F97];
	s0 =	simm.s32 @p0 $0x1  }
0x13: {  	[smem:$0x3FB2] =	sst s0;
	s0 =	simm.s32 @!p1 $0x0  }
0x14: {  	s2 =	sld [smem:$0x3F96];
	s0 =	simm.s32 @p1 $0x1  }
0x15: {  	[smem:$0x3FB3] =	sst s0;
	s0 =	simm.s32 @!p2 $0x0  }
0x16: {  	s3 =	sld [smem:$0x3FDB];
	s0 =	simm.s32 @p2 $0x1  }
0x17: {  	s4 =	simm.s32 $0x1BF5;
	[smem:$0x3FB5] =	sst s0  }
0x18: {  	s0 =	sld [smem:$0x3F98];
	_ =	swait.ge [sflag:s4], $0x0  }
0x19: {  	s7 =	sld [smem:$0x3F99]  }
0x1a: {  	s8 =	sadd.s32 $0xFFFFE003, lr  }
0x1b: {  	s9 =	sadd.s32 $0xFFFFFEF7, lr;
	s5 =	simm.s32 $0xFFFFFFFF;
	p2 =	slt.u32 s8, $0xFFFFF086  }
0x1c: {  	p1 =	slt.u32 s9, $0xF7A;
	s5 =	simm.s32 @!p2 $0x0  }
0x1d: {  	s5 =	simm.s32 @p1 $0x1;
	p0 =	seq.s32 s7, s2  }
0x1e: {  	s7 =	smul.u32 @!p0 $0xF7A, s2;
	p2 =	seq.s32 @!p0 s5, $0x0  }
0x1f: {  	s9 =	smul.u32 $0xF7A, s1;
	s8 =	simm.s32 @!p0 $0x1BF5;
	p2 =	por !p2, p0  }
0x20: {  	[sflag:s8] =	ssyncset.s32 @!p0 $0xFFFFF086;
	s6 =	sadd.s32 @!p0 s3, s7;
	s7 =	simm.s32 @!p0 $0x108  }
0x21: {  	s3 =	sadd.s32 s3, s9;
	s6 =	sadd.s32 @!p0 $0x88, s6;
	s7 =	simm.s32 @p2 $0x1082  }
0x22: {  	[simem:s7], [sflag:s8] =	dma.local @!p0 [hbm:s6], $0xF7A  }
0x23: {  	s9 =	sor.u32 $0xD0000000, s2;
	s6 =	simm.s32 $0x108;
	_ =	swait.ge @!p0 [sflag:s8], $0x0  }
0x24: {  	s3 =	sadd.s32 $0x88, s3;
	s6 =	simm.s32 @!p1 $0x1082;
	[sflag:s4] =	ssyncset.s32 $0xFFFFF086  }
0x25: {  	[simem:s6], [sflag:s4] =	dma.local [hbm:s3], $0xF7A  }
0x26: {  	[smem:$0x3F99] =	sst s1;
	(tag) =	ssettag s2;
	_ =	strace s9  }
0x27: {  	s1 =	sld [smem:$0x3FA9]  }
0x28: {  	s2 =	sld [smem:$0x3FAA]  }
0x29: {  	s4 =	sld [smem:$0x3FAC]  }
0x2a: {  	p0 =	seq.s32 s5, $0x0;
	s5 =	sld [smem:$0x3FAD]  }
0x2b: {  	s6 =	sld [smem:$0x3FAE]  }
0x2c: {  	s7 =	sld [smem:$0x3FAF]  }
0x2d: {  	s3 =	simm.s32 $0x108;
	s8 =	sld [smem:$0x3FB0]  }
0x2e: {  	s3 =	simm.s32 @!p0 $0x1082;
	s9 =	sld [smem:$0x3FB1]  }
0x2f: {  	lr =	sadd.s32 s0, s3;
	s0 =	sld [smem:$0x3FA8]  }
0x30: {  	s3 =	sld [smem:$0x3FAB]  }
0x31: {  	[smem:$0x3FB4] =	sst s10  }
0x32: {  	s10 =	sld [smem:$0x3FB2];
	_ =	sdelay $0x3  }
0x33: {  	p0 =	seq.s32 s10, $0x1;
	s10 =	sld [smem:$0x3FB4];
	_ =	sdelay $0x3  }
0x34: {  	[smem:$0x3FB4] =	sst s10  }
0x35: {  	s10 =	sld [smem:$0x3FB3];
	_ =	sdelay $0x3  }
0x36: {  	p1 =	seq.s32 s10, $0x1;
	s10 =	sld [smem:$0x3FB4];
	_ =	sdelay $0x3  }
0x37: {  	[smem:$0x3FB4] =	sst s10  }
0x38: {  	s10 =	sld [smem:$0x3FB5]  }
0x39: {  	_ = 	snop;
	(pc) =	sbr.ind lr, $3  }
0x3a: {  	_ = 	snop  }
0x3b: {  	_ = 	snop  }
0x3c: {  	p2 =	seq.s32 s10, $0x1;
	s10 =	sld [smem:$0x3FB4]  }
0x3d: {  	_ =	shalt  }
0x3e: {  	_ =	shalt  }
0x3f: {  	_ =	shalt  }
0x40: {  	_ =	shalt  }
0x41: {  	_ =	shalt  }
0x42: {  	_ =	shalt  }
0x43: {  	_ =	shalt  }
0x44: {  	_ =	shalt  }
0x45: {  	_ =	shalt  }
0x46: {  	_ =	shalt  }
0x47: {  	_ =	shalt  }
0x48: {  	_ =	shalt  }
0x49: {  	_ =	shalt  }
0x4a: {  	_ =	shalt  }
0x4b: {  	_ =	shalt  }
0x4c: {  	_ =	shalt  }
0x4d: {  	_ =	shalt  }
0x4e: {  	_ =	shalt  }
0x4f: {  	_ =	shalt  }
0x50: {  	_ =	shalt  }
0x51: {  	_ =	shalt  }
0x52: {  	_ =	shalt  }
0x53: {  	_ =	shalt  }
0x54: {  	_ =	shalt  }
0x55: {  	_ =	shalt  }
0x56: {  	_ =	shalt  }
0x57: {  	_ =	shalt  }
0x58: {  	_ =	shalt  }
0x59: {  	_ =	shalt  }
0x5a: {  	_ =	shalt  }
0x5b: {  	_ =	shalt  }
0x5c: {  	_ =	shalt  }
0x5d: {  	_ =	shalt  }
0x5e: {  	_ =	shalt  }
0x5f: {  	_ =	shalt  }
0x60: {  	_ =	shalt  }
0x61: {  	_ =	shalt  }
0x62: {  	_ =	shalt  }
0x63: {  	_ =	shalt  }
0x64: {  	_ =	shalt  }
0x65: {  	_ =	shalt  }
0x66: {  	_ =	shalt  }
0x67: {  	_ =	shalt  }
0x68: {  	_ =	shalt  }
0x69: {  	_ =	shalt  }
0x6a: {  	_ =	shalt  }
0x6b: {  	_ =	shalt  }
0x6c: {  	_ =	shalt  }
0x6d: {  	_ =	shalt  }
0x6e: {  	_ =	shalt  }
0x6f: {  	_ =	shalt  }
0x70: {  	_ =	shalt  }
0x71: {  	_ =	shalt  }
0x72: {  	_ =	shalt  }
0x73: {  	_ =	shalt  }
0x74: {  	_ =	shalt  }
0x75: {  	_ =	shalt  }
0x76: {  	_ =	shalt  }
0x77: {  	_ =	shalt  }
0x78: {  	_ =	shalt  }
0x79: {  	_ =	shalt  }
0x7a: {  	_ =	shalt  }
0x7b: {  	_ =	shalt  }
0x7c: {  	_ =	shalt  }
0x7d: {  	_ =	shalt  }
0x7e: {  	_ =	shalt  }
0x7f: {  	_ =	shalt  }
0x80: {  	_ =	shalt  }
0x81: {  	_ =	shalt  }
0x82: {  	_ =	shalt  }
0x83: {  	_ =	shalt  }
0x84: {  	_ =	shalt  }
0x85: {  	_ =	shalt  }
0x86: {  	_ =	shalt  }
0x87: {  	_ =	shalt  }
.Lfunc_end0:
.L_simem_size_0:
called_computation.1_lowered:
.L_overlay_start_0:
0x88: {  	s2 =	sld [smem:$0x3FD9]  }
0x89: {  	s3 =	sld [smem:$0x3FFE];
	_ =	sdelay $0x1  }
0x8a: {  	s1 =	srdreg.scid  }
0x8b: {  	s0 =	sand.u32 $0x1, s1  }
0x8c: {  	s17 =	sshll.u32 s0, $0xA;
	s2 =	sadd.s32 s3, s2  }
0x8d: {  	s2 =	sadd.s32 s2, s17  }
0x8e: {  	[smem:$0x3FC0] =	sst s2  }
0x8f: {  	_ = 	snop  }
0x90: {  	s2 =	sld [smem:$0x3FD0];
	(tm) =	ssettm $0x1  }
0x91: {  	s18 =	sld [smem:$0x3FFB];
	_ =	sdelay $0x3  }
0x92: {  	_ =	strace s18  }
0x93: {  	s3 =	sld [smem:$0x3FFC];
	_ =	sdelay $0x3  }
0x94: {  	_ =	strace s3  }
0x95: {  	s3 =	sld [smem:$0x3FFD];
	_ =	sdelay $0x3  }
0x96: {  	_ =	strace s3  }
0x97: {  	_ =	strace $0x8FFFFFFF  }
0x98: {  	s19 =	sld [smem:$0x3FDB];
	_ =	sdelay $0x1  }
0x99: {  	s4 =	simm.s32 $_scs_section_size  }
0x9a: {  	s5 =	simm.s32 $_size__tile_overlayer_lowered;
	s6 =	simm.s32 $_tile_overlayer_lowered  }
0x9b: {  	s22 =	simm.s32 $0x1BFF;
	s21 =	sshll.u32 s6, $0x1;
	s3 =	sadd.s32 s4, s19  }
0x9c: {  	s7 =	simm.s32 $0x0;
	s20 =	sshll.u32 s5, $0x1;
	s5 =	sadd.s32 s21, s3  }
0x9d: {  	[timem:s7], [sflag:s22] =	dma.local [hbm:s5], s20  }
0x9e: {  	_ =	swait.ge [sflag:s22], s20  }
0x9f: {  	s4 =	ssub.s32 $0x0, s20;
	[sflag:s22] =	ssyncset.done $0x0  }
0xa0: {  	[sflag:s22] =	ssyncadd.s32 s4;
	_ =	sdelay $0x1  }
0xa1: {  	s23 =	simm.s32 $0x1B8B  }
0xa2: {  	_ =	swait.ge [sflag:s23], $0x1  }
0xa3: {  	[sflag:s23] =	ssyncset.done $0x0  }
0xa4: {  	s25 =	simm.s32 $0x1B8E;
	s24 =	sld [smem:$0x3FFE];
	[sflag:s23] =	ssyncadd.s32 $0xFFFFFFFF  }
0xa5: {  	s26 =	simm.s32 $execute0_lowered;
	[smem:$0x3FD2] =	sst s25  }
0xa6: {  	s5 =	sshll.u32 s26, $0x1;
	_ =	strace $0x80000049;
	[dreg:$0x1] =	wrdreg $0xFFFFFFFF  }
0xa7: {  	s28 =	simm.s32 $_size_execute0_lowered;
	s3 =	sadd.s32 s3, s5;
	[dreg:$0x0] =	wrdreg $0x0  }
0xa8: {  	s5 =	sshll.u32 s28, $0x1;
	[dreg:$0x2] =	wrdreg s3  }
0xa9: {  	[dreg:$0x3] =	wrdreg s5  }
0xaa: {  	[dreg:$0x4] =	wrdreg $0xC0  }
0xab: {  	_ =	task [dreg:s7], $0x5FFFF  }
0xac: {  	[dreg:$0x1] =	wrdreg $0xFFFFFFFF  }
0xad: {  	[dreg:$0x0] =	wrdreg $0x60  }
0xae: {  	[dreg:$0x2] =	wrdreg s2  }
0xaf: {  	[dreg:$0x3] =	wrdreg s24  }
0xb0: {  	[dreg:$0x4] =	wrdreg $0x41000  }
0xb1: {  	[dreg:$0x5] =	wrdreg $0x9  }
0xb2: {  	_ =	task.clear_ibuf [dreg:s7], $0x6FFFF;
	_ =	strace $0x90000049  }
0xb3: {  	s29 =	simm.s32 $0x9;
	_ =	strace $0x8000004B  }
0xb4: {  	_ =	swait.ge [sflag:s29], $0x1  }
0xb5: {  	[sflag:s29] =	ssyncadd.s32 $0xFFFFFFFF  }
0xb6: {  	_ =	strace $0x9000004B  }
0xb7: {  	_ =	sfence  }
0xb8: {  	s30 =	sld [smem:$0x0];
	_ =	sdelay $0x2  }
0xb9: {  	s31 =	sshll.u32 s1, $0xD;
	s1 =	sshrl.u32 s1, $0x2  }
0xba: {  	s3 =	sand.u32 $0x4000, s31;
	s1 =	sadd.s32 s1, s30  }
0xbb: {  	s0 =	sor.u32 s3, s0;
	s1 =	sshll.u32 s1, $0x11  }
0xbc: {  	s0 =	sor.u32 s1, s0  }
0xbd: {  	s0 =	sadd.s32 $0x8F2B, s0  }
0xbe: {  	[sflag:s0] =	ssyncadd.remote.s32 $0x1  }
0xbf: {  	_ =	sfence.sel $0xFFFF  }
0xc0: {  	[dreg:$0x0] =	wrdreg $0xFFFFFFFF;
	(pc) =	sbr.abs _section_cstart, $3  }
0xc1: {  	[dreg:$0x1] =	wrdreg $0xFFFFFFFF  }
0xc2: {  	_ =	task.clear_ibuf [dreg:s7], $0x2FFFF;
	_ =	strace $0x9FFFFFFF  }
0xc3: {  	(tm) =	ssettm $0x7FFFFFFF  }
tec
execute0_lowered:
.L_overlay_start_1:
0x0: {  	(tag) =	ssettag $0x1  }
0x1: {  	s0 =	rddreg [dreg:$0x0]  }
0x2: {  	s5 =	rddreg [dreg:$0x1]  }
0x3: {  	s1 =	srdreg.scid;
	s2 =	stileid.u32  }
0x4: {  	s3 =	rddreg [dreg:$0x2];
	s4 =	simm.s32 $0x0;
	s8 =	smul.u32 $0x13C00, s2  }
0x5: {  	s13 =	simm.s32 $0x80;
	s14 =	simm.s32 $0x100;
	s26 =	smul.u32 $0x4F000, s2  }
0x6: {  	s15 =	simm.s32 $0x1;
	s6 =	sand.u32 $0x1, s1;
	s30 =	smul.u32 $0x500, s2  }
0x7: {  	s16 =	simm.s32 $0x0;
	s1 =	rddreg [dreg:$0x3];
	s7 =	smul.u32 $0x5000, s6  }
0x8: {  	[smem:$0x7FF] =	sst s4;
	s31 =	sshll.u32 s2, $0x6;
	s9 =	smul.u32 $0x13C000, s6  }
0x9: {  	_ =	strace $0x8000004A;
	s6 =	ssub.s32 $0x2, s6;
	s25 =	sshrl.u32 s8, $0x3  }
0xa: {  	s28 =	sshrl.u32 s6, $0x1;
	s29 =	sshrl.u32 s26, $0x2;
	s10 =	sadd.s32 s7, s5  }
0xb: {  	s8 =	sadd.s32 s8, s9;
	s7 =	sadd.s32 s25, s5;
	s11 =	ssub.s32 s6, s28  }
0xc: {  	s12 =	sadd.s32 s29, s3;
	s6 =	sor.u32 $0x1C02, s31;
	s8 =	sshrl.u32 s8, $0x3  }
0xd: {  	s10 =	sadd.s32 s30, s10;
	s8 =	sadd.s32 s8, s5;
	s5 =	sadd.s32 $0xCC00, s7  }
0xe: {  	s9 =	sadd.s32 $0x2C00, s10;
	s10 =	sadd.s32 $0x83400, s10;
	s7 =	sadd.s32 $0x34400, s8  }
0xf: {  	s8 =	smax.u32 s11, $0x1;
	s11 =	sshrl.u32 s12, $0x3;
	s12 =	simm.s32 $0x2  }
.LBB2_1:
0x10: {  	[spmem:s11], [sflag:s6] =	dma.local [hbm:s5], $0x2780  }
0x11: {  	_ =	swait.ge [sflag:s12], $0x2780  }
0x12: {  	[sflag:s12] =	ssyncset.done $0x0  }
0x13: {  	[sflag:s12] =	ssyncadd.s32 $0xFFFFD880  }
0x14: {  	s17 =	sadd.s32 $0x0, s10;
	[bflag:$0x0] =	sbarrier.arrive $0xFFFF  }
0x15: {  	[tilespmem:s4], [sflag:$0x2] =	stream.linear.gather [hbm4b:s17+s4], $0x80, $0x38;
	[tilespmem:$0x17D00] =	vst v63  }
0x16: {  	_ =	swait.ge [sflag:s12], $0x80  }
0x17: {  	[sflag:s12] =	ssyncset.done $0x0  }
0x18: {  	s31 =	sadd.s32 $0x0, s9;
	[sflag:s12] =	ssyncadd.s32 $0xFFFFFF80  }
0x19: {  	[tilespmem:s13], [sflag:$0x2] =	stream.linear.gather [hbm4b:s31+s4], $0x80, $0x38;
	[tilespmem:$0x17D00] =	vst v63  }
0x1a: {  	_ =	swait.ge [sflag:s12], $0x80  }
0x1b: {  	[sflag:s12] =	ssyncset.done $0x0  }
0x1c: {  	[sflag:s12] =	ssyncadd.s32 $0xFFFFFF80  }
0x1d: {  	[tilespmem:s14], [sflag:$0x1] =	stream.indirect.gather [hbm4b:s0+s13], $0x80, s4, s13, $0xb8;
	[tilespmem:$0x17D00] =	vst v63  }
0x1e: {  	_ =	swait.ge [sflag:s15], $0x4000  }
0x1f: {  	[sflag:s15] =	ssyncset.done $0x0  }
0x20: {  	[sflag:s15] =	ssyncadd.s32 $0xFFFFC000  }
0x21: {  	[spmem:s3] =	stream.indirect.scatter.add.f32 [tilespmem:s14], [sflag:$0x2], $0x80, s13, s13, $0xb8;
	[tilespmem:$0x17D00] =	vst v63  }
0x22: {  	_ =	swait.ge [sflag:s12], $0x4000  }
0x23: {  	s18 =	simm.s32 $0x20;
	s17 =	simm.s32 $0x10;
	[sflag:s12] =	ssyncset.done $0x0  }
.LBB2_2:
0x24: {  	s19 =	sadd.s32 s17, s10  }
0x25: {  	[sflag:s12] =	ssyncadd.s32 $0xFFFFC000;
	s20 =	smov.u32 s18;
	s21 =	sadd.s32 $0x10, s18  }
0x26: {  	[tilespmem:s4], [sflag:$0x2] =	stream.linear.gather [hbm4b:s19+s4], $0x80, $0x38;
	[tilespmem:$0x17D00] =	vst v63  }
0x27: {  	p0 =	sne.s32 s18, $0x4F0;
	_ =	swait.ge [sflag:s12], $0x80  }
0x28: {  	[sflag:s12] =	ssyncset.done $0x0  }
0x29: {  	s18 =	sadd.s32 s17, s9;
	s17 =	smov.u32 s20;
	[sflag:s12] =	ssyncadd.s32 $0xFFFFFF80  }
0x2a: {  	[tilespmem:s13], [sflag:$0x2] =	stream.linear.gather [hbm4b:s18+s4], $0x80, $0x38;
	[tilespmem:$0x17D00] =	vst v63  }
0x2b: {  	_ =	swait.ge [sflag:s12], $0x80  }
0x2c: {  	[sflag:s12] =	ssyncset.done $0x0  }
0x2d: {  	[sflag:s12] =	ssyncadd.s32 $0xFFFFFF80  }
0x2e: {  	[tilespmem:s14], [sflag:$0x1] =	stream.indirect.gather [hbm4b:s0+s13], $0x80, s4, s13, $0xb8;
	[tilespmem:$0x17D00] =	vst v63  }
0x2f: {  	_ =	swait.ge [sflag:s15], $0x4000  }
.Ltmp0:
0x30: {  	[sflag:s15] =	ssyncset.done $0x0;
	(pc) =	sbr.rel @p0 .LBB2_2-.Ltmp0, $4  }
0x31: {  	[sflag:s15] =	ssyncadd.s32 $0xFFFFC000  }
0x32: {  	[spmem:s3] =	stream.indirect.scatter.add.f32 [tilespmem:s14], [sflag:$0x2], $0x80, s13, s13, $0xb8;
	[tilespmem:$0x17D00] =	vst v63  }
0x33: {  	_ =	swait.ge [sflag:s12], $0x4000  }
0x34: {  	s18 =	smov.u32 s21;
	[sflag:s12] =	ssyncset.done $0x0  }
0x35: {  	s18 =	sadd.s32 s17, s10;
	[sflag:s12] =	ssyncadd.s32 $0xFFFFC000  }
0x36: {  	[tilespmem:s4], [sflag:$0x2] =	stream.linear.gather [hbm4b:s18+s4], $0x80, $0x38;
	[tilespmem:$0x17D00] =	vst v63  }
0x37: {  	_ =	swait.ge [sflag:s12], $0x80  }
0x38: {  	[sflag:s12] =	ssyncset.done $0x0  }
0x39: {  	s31 =	sadd.s32 s17, s9;
	[sflag:s12] =	ssyncadd.s32 $0xFFFFFF80  }
0x3a: {  	[tilespmem:s13], [sflag:$0x2] =	stream.linear.gather [hbm4b:s31+s4], $0x80, $0x38;
	[tilespmem:$0x17D00] =	vst v63  }
0x3b: {  	_ =	swait.ge [sflag:s12], $0x80  }
0x3c: {  	[sflag:s12] =	ssyncset.done $0x0  }
0x3d: {  	[sflag:s12] =	ssyncadd.s32 $0xFFFFFF80  }
0x3e: {  	[tilespmem:s14], [sflag:$0x1] =	stream.indirect.gather [hbm4b:s0+s13], $0x80, s4, s13, $0xb8;
	[tilespmem:$0x17D00] =	vst v63  }
0x3f: {  	_ =	swait.ge [sflag:s15], $0x4000  }
0x40: {  	[sflag:s15] =	ssyncset.done $0x0  }
0x41: {  	[sflag:s15] =	ssyncadd.s32 $0xFFFFC000  }
0x42: {  	[spmem:s3] =	stream.indirect.scatter.add.f32 [tilespmem:s14], [sflag:$0x2], $0x80, s13, s13, $0xb8;
	[tilespmem:$0x17D00] =	vst v63  }
0x43: {  	_ =	swait.ge [sflag:s12], $0x4000  }
0x44: {  	s16 =	sadd.s32 $0x1, s16;
	[sflag:s12] =	ssyncset.done $0x0  }
0x45: {  	p0 =	sne.s32 s16, s8;
	[sflag:s12] =	ssyncadd.s32 $0xFFFFC000  }
.Ltmp1:
0x46: {  	[bflag:$0x0] =	sbarrier.arrive $0xFFFF;
	(pc) =	sbr.rel @p0 .LBB2_1-.Ltmp1, $4  }
0x47: {  	[hbm:s7], [sflag:s6] =	dma.local [spmem:s11], $0x2780  }
0x48: {  	_ =	swait.ge [sflag:s12], $0x2780  }
0x49: {  	[sflag:s12] =	ssyncset.done $0x0  }
0x4a: {  	[sflag:s12] =	ssyncadd.s32 $0xFFFFD880  }
0x4b: {  	_ =	sfence.sel $0x180000  }
0x4c: {  	[bflag:$0x0] =	sbarrier.arrive $0xFFFF  }
0x4d: {  	p0 =	sne.s32 s2, $0x0;
	_ =	strace $0x9000004A  }
0x4e: {  	s0 =	sadd.s32 @!p0 $0x100000, s1;
	[bflag:$0x2] =	sbarrier.arrive $0xFFFF  }
0x4f: {  	[sflag:s0] =	ssyncadd.tile.s32 @!p0 $0x1;
	_ =	shalt  }
.Lfunc_end2:
_tile_overlayer_lowered:
.L_overlay_start_2:
0x50: {  	(tag) =	ssettag $0x2  }
0x51: {  	s0 =	rddreg [dreg:$0x0];
	s2 =	stileid.u32  }
0x52: {  	s1 =	rddreg [dreg:$0x1];
	p0 =	sne.s32 s2, $0x0  }
0x53: {  	s3 =	rddreg [dreg:$0x2];
	[bflag:$0x3] =	sbarrier.arrive $0xFFFF;
	s2 =	simm.s32 @!p0 $0x1C02  }
0x54: {  	[timem:s3], [sflag:s2] =	dma.local @!p0 [hbm:s0], s1  }
0x55: {  	s0 =	simm.s32 @!p0 $0x2  }
0x56: {  	_ =	swait.ge @!p0 [sflag:s0], s1  }
0x57: {  	s1 =	ssub.s32 @!p0 $0x0, s1;
	[sflag:s0] =	ssyncset.done @!p0 $0x0  }
0x58: {  	[sflag:s0] =	ssyncadd.s32 @!p0 s1  }
0x59: {  	[bflag:$0x3] =	sbarrier.arrive $0xFFFF  }
0x5a: {  	_ =	shalt  }

// kernel: kernel.16.cloned.1.call-start
scs
__scs_entry_jumppad:
0x0: {  	(pc) =	sbr.rel $0x88, $3  }
0x1: {  	(tag) =	ssettag $0x0;
	lr =	simm.s32 $0x1  }
0x2: {  	[smem:$0x3F99] =	sst lr;
	_ =	strace $0xD0000000  }
0x3: {  	_ = 	snop  }
0x4: {  	_ = 	snop  }
0x5: {  	_ = 	snop  }
0x6: {  	_ = 	snop  }
0x7: {  	_ = 	snop  }
__scs_overlays_trampoline_lowered:
0x8: {  	[smem:$0x3FA8] =	sst s0  }
0x9: {  	[smem:$0x3FA9] =	sst s1  }
0xa: {  	[smem:$0x3FAA] =	sst s2  }
0xb: {  	[smem:$0x3FAB] =	sst s3  }
0xc: {  	[smem:$0x3FAC] =	sst s4  }
0xd: {  	[smem:$0x3FAD] =	sst s5  }
0xe: {  	[smem:$0x3FAE] =	sst s6  }
0xf: {  	[smem:$0x3FAF] =	sst s7  }
0x10: {  	[smem:$0x3FB0] =	sst s8  }
0x11: {  	[smem:$0x3FB1] =	sst s9;
	s0 =	simm.s32 @!p0 $0x0  }
0x12: {  	s1 =	sld [smem:$0x3F97];
	s0 =	simm.s32 @p0 $0x1  }
0x13: {  	[smem:$0x3FB2] =	sst s0;
	s0 =	simm.s32 @!p1 $0x0  }
0x14: {  	s2 =	sld [smem:$0x3F96];
	s0 =	simm.s32 @p1 $0x1  }
0x15: {  	[smem:$0x3FB3] =	sst s0;
	s0 =	simm.s32 @!p2 $0x0  }
0x16: {  	s3 =	sld [smem:$0x3FDB];
	s0 =	simm.s32 @p2 $0x1  }
0x17: {  	s4 =	simm.s32 $0x1BF5;
	[smem:$0x3FB5] =	sst s0  }
0x18: {  	s0 =	sld [smem:$0x3F98];
	_ =	swait.ge [sflag:s4], $0x0  }
0x19: {  	s7 =	sld [smem:$0x3F99]  }
0x1a: {  	s8 =	sadd.s32 $0xFFFFE003, lr  }
0x1b: {  	s9 =	sadd.s32 $0xFFFFFEF7, lr;
	s5 =	simm.s32 $0xFFFFFFFF;
	p2 =	slt.u32 s8, $0xFFFFF086  }
0x1c: {  	p1 =	slt.u32 s9, $0xF7A;
	s5 =	simm.s32 @!p2 $0x0  }
0x1d: {  	s5 =	simm.s32 @p1 $0x1;
	p0 =	seq.s32 s7, s2  }
0x1e: {  	s7 =	smul.u32 @!p0 $0xF7A, s2;
	p2 =	seq.s32 @!p0 s5, $0x0  }
0x1f: {  	s9 =	smul.u32 $0xF7A, s1;
	s8 =	simm.s32 @!p0 $0x1BF5;
	p2 =	por !p2, p0  }
0x20: {  	[sflag:s8] =	ssyncset.s32 @!p0 $0xFFFFF086;
	s6 =	sadd.s32 @!p0 s3, s7;
	s7 =	simm.s32 @!p0 $0x108  }
0x21: {  	s3 =	sadd.s32 s3, s9;
	s6 =	sadd.s32 @!p0 $0x88, s6;
	s7 =	simm.s32 @p2 $0x1082  }
0x22: {  	[simem:s7], [sflag:s8] =	dma.local @!p0 [hbm:s6], $0xF7A  }
0x23: {  	s9 =	sor.u32 $0xD0000000, s2;
	s6 =	simm.s32 $0x108;
	_ =	swait.ge @!p0 [sflag:s8], $0x0  }
0x24: {  	s3 =	sadd.s32 $0x88, s3;
	s6 =	simm.s32 @!p1 $0x1082;
	[sflag:s4] =	ssyncset.s32 $0xFFFFF086  }
0x25: {  	[simem:s6], [sflag:s4] =	dma.local [hbm:s3], $0xF7A  }
0x26: {  	[smem:$0x3F99] =	sst s1;
	(tag) =	ssettag s2;
	_ =	strace s9  }
0x27: {  	s1 =	sld [smem:$0x3FA9]  }
0x28: {  	s2 =	sld [smem:$0x3FAA]  }
0x29: {  	s4 =	sld [smem:$0x3FAC]  }
0x2a: {  	p0 =	seq.s32 s5, $0x0;
	s5 =	sld [smem:$0x3FAD]  }
0x2b: {  	s6 =	sld [smem:$0x3FAE]  }
0x2c: {  	s7 =	sld [smem:$0x3FAF]  }
0x2d: {  	s3 =	simm.s32 $0x108;
	s8 =	sld [smem:$0x3FB0]  }
0x2e: {  	s3 =	simm.s32 @!p0 $0x1082;
	s9 =	sld [smem:$0x3FB1]  }
0x2f: {  	lr =	sadd.s32 s0, s3;
	s0 =	sld [smem:$0x3FA8]  }
0x30: {  	s3 =	sld [smem:$0x3FAB]  }
0x31: {  	[smem:$0x3FB4] =	sst s10  }
0x32: {  	s10 =	sld [smem:$0x3FB2];
	_ =	sdelay $0x3  }
0x33: {  	p0 =	seq.s32 s10, $0x1;
	s10 =	sld [smem:$0x3FB4];
	_ =	sdelay $0x3  }
0x34: {  	[smem:$0x3FB4] =	sst s10  }
0x35: {  	s10 =	sld [smem:$0x3FB3];
	_ =	sdelay $0x3  }
0x36: {  	p1 =	seq.s32 s10, $0x1;
	s10 =	sld [smem:$0x3FB4];
	_ =	sdelay $0x3  }
0x37: {  	[smem:$0x3FB4] =	sst s10  }
0x38: {  	s10 =	sld [smem:$0x3FB5]  }
0x39: {  	_ = 	snop;
	(pc) =	sbr.ind lr, $3  }
0x3a: {  	_ = 	snop  }
0x3b: {  	_ = 	snop  }
0x3c: {  	p2 =	seq.s32 s10, $0x1;
	s10 =	sld [smem:$0x3FB4]  }
0x3d: {  	_ =	shalt  }
0x3e: {  	_ =	shalt  }
0x3f: {  	_ =	shalt  }
0x40: {  	_ =	shalt  }
0x41: {  	_ =	shalt  }
0x42: {  	_ =	shalt  }
0x43: {  	_ =	shalt  }
0x44: {  	_ =	shalt  }
0x45: {  	_ =	shalt  }
0x46: {  	_ =	shalt  }
0x47: {  	_ =	shalt  }
0x48: {  	_ =	shalt  }
0x49: {  	_ =	shalt  }
0x4a: {  	_ =	shalt  }
0x4b: {  	_ =	shalt  }
0x4c: {  	_ =	shalt  }
0x4d: {  	_ =	shalt  }
0x4e: {  	_ =	shalt  }
0x4f: {  	_ =	shalt  }
0x50: {  	_ =	shalt  }
0x51: {  	_ =	shalt  }
0x52: {  	_ =	shalt  }
0x53: {  	_ =	shalt  }
0x54: {  	_ =	shalt  }
0x55: {  	_ =	shalt  }
0x56: {  	_ =	shalt  }
0x57: {  	_ =	shalt  }
0x58: {  	_ =	shalt  }
0x59: {  	_ =	shalt  }
0x5a: {  	_ =	shalt  }
0x5b: {  	_ =	shalt  }
0x5c: {  	_ =	shalt  }
0x5d: {  	_ =	shalt  }
0x5e: {  	_ =	shalt  }
0x5f: {  	_ =	shalt  }
0x60: {  	_ =	shalt  }
0x61: {  	_ =	shalt  }
0x62: {  	_ =	shalt  }
0x63: {  	_ =	shalt  }
0x64: {  	_ =	shalt  }
0x65: {  	_ =	shalt  }
0x66: {  	_ =	shalt  }
0x67: {  	_ =	shalt  }
0x68: {  	_ =	shalt  }
0x69: {  	_ =	shalt  }
0x6a: {  	_ =	shalt  }
0x6b: {  	_ =	shalt  }
0x6c: {  	_ =	shalt  }
0x6d: {  	_ =	shalt  }
0x6e: {  	_ =	shalt  }
0x6f: {  	_ =	shalt  }
0x70: {  	_ =	shalt  }
0x71: {  	_ =	shalt  }
0x72: {  	_ =	shalt  }
0x73: {  	_ =	shalt  }
0x74: {  	_ =	shalt  }
0x75: {  	_ =	shalt  }
0x76: {  	_ =	shalt  }
0x77: {  	_ =	shalt  }
0x78: {  	_ =	shalt  }
0x79: {  	_ =	shalt  }
0x7a: {  	_ =	shalt  }
0x7b: {  	_ =	shalt  }
0x7c: {  	_ =	shalt  }
0x7d: {  	_ =	shalt  }
0x7e: {  	_ =	shalt  }
0x7f: {  	_ =	shalt  }
0x80: {  	_ =	shalt  }
0x81: {  	_ =	shalt  }
0x82: {  	_ =	shalt  }
0x83: {  	_ =	shalt  }
0x84: {  	_ =	shalt  }
0x85: {  	_ =	shalt  }
0x86: {  	_ =	shalt  }
0x87: {  	_ =	shalt  }
.Lfunc_end0:
.L_simem_size_0:
called_computation.2_lowered:
.L_overlay_start_0:
0x88: {  	s2 =	sld [smem:$0x3FD9]  }
0x89: {  	s3 =	sld [smem:$0x3FFE];
	_ =	sdelay $0x1  }
0x8a: {  	s1 =	srdreg.scid  }
0x8b: {  	s0 =	sand.u32 $0x1, s1  }
0x8c: {  	s17 =	sshll.u32 s0, $0xA;
	s2 =	sadd.s32 s3, s2  }
0x8d: {  	s2 =	sadd.s32 s2, s17  }
0x8e: {  	[smem:$0x3FC0] =	sst s2  }
0x8f: {  	_ = 	snop  }
0x90: {  	s2 =	sld [smem:$0x3FD0];
	(tm) =	ssettm $0x1  }
0x91: {  	s18 =	sld [smem:$0x3FFB];
	_ =	sdelay $0x3  }
0x92: {  	_ =	strace s18  }
0x93: {  	s3 =	sld [smem:$0x3FFC];
	_ =	sdelay $0x3  }
0x94: {  	_ =	strace s3  }
0x95: {  	s3 =	sld [smem:$0x3FFD];
	_ =	sdelay $0x3  }
0x96: {  	_ =	strace s3  }
0x97: {  	_ =	strace $0x8FFFFFFF  }
0x98: {  	s19 =	sld [smem:$0x3FDB];
	_ =	sdelay $0x1  }
0x99: {  	s4 =	simm.s32 $_scs_section_size  }
0x9a: {  	s5 =	simm.s32 $_size__tile_overlayer_lowered;
	s6 =	simm.s32 $_tile_overlayer_lowered  }
0x9b: {  	s22 =	simm.s32 $0x1BFF;
	s21 =	sshll.u32 s6, $0x1;
	s3 =	sadd.s32 s4, s19  }
0x9c: {  	s7 =	simm.s32 $0x0;
	s20 =	sshll.u32 s5, $0x1;
	s5 =	sadd.s32 s21, s3  }
0x9d: {  	[timem:s7], [sflag:s22] =	dma.local [hbm:s5], s20  }
0x9e: {  	_ =	swait.ge [sflag:s22], s20  }
0x9f: {  	s4 =	ssub.s32 $0x0, s20;
	[sflag:s22] =	ssyncset.done $0x0  }
0xa0: {  	[sflag:s22] =	ssyncadd.s32 s4;
	_ =	sdelay $0x1  }
0xa1: {  	s23 =	simm.s32 $0x1B8B  }
0xa2: {  	_ =	swait.ge [sflag:s23], $0x1  }
0xa3: {  	[sflag:s23] =	ssyncset.done $0x0  }
0xa4: {  	s25 =	simm.s32 $0x1B8E;
	s24 =	sld [smem:$0x3FFE];
	[sflag:s23] =	ssyncadd.s32 $0xFFFFFFFF  }
0xa5: {  	s26 =	simm.s32 $execute0_lowered;
	[smem:$0x3FD2] =	sst s25  }
0xa6: {  	s5 =	sshll.u32 s26, $0x1;
	_ =	strace $0x8000004C;
	[dreg:$0x1] =	wrdreg $0xFFFFFFFF  }
0xa7: {  	s28 =	simm.s32 $_size_execute0_lowered;
	s3 =	sadd.s32 s3, s5;
	[dreg:$0x0] =	wrdreg $0x0  }
0xa8: {  	s5 =	sshll.u32 s28, $0x1;
	[dreg:$0x2] =	wrdreg s3  }
0xa9: {  	[dreg:$0x3] =	wrdreg s5  }
0xaa: {  	[dreg:$0x4] =	wrdreg $0xC0  }
0xab: {  	_ =	task [dreg:s7], $0x5FFFF  }
0xac: {  	[dreg:$0x1] =	wrdreg $0xFFFFFFFF  }
0xad: {  	[dreg:$0x0] =	wrdreg $0x60  }
0xae: {  	[dreg:$0x2] =	wrdreg s2  }
0xaf: {  	[dreg:$0x3] =	wrdreg s24  }
0xb0: {  	[dreg:$0x4] =	wrdreg $0x41000  }
0xb1: {  	[dreg:$0x5] =	wrdreg $0x9  }
0xb2: {  	_ =	task.clear_ibuf [dreg:s7], $0x6FFFF;
	_ =	strace $0x9000004C  }
0xb3: {  	s29 =	simm.s32 $0x9;
	_ =	strace $0x8000004E  }
0xb4: {  	_ =	swait.ge [sflag:s29], $0x1  }
0xb5: {  	[sflag:s29] =	ssyncadd.s32 $0xFFFFFFFF  }
0xb6: {  	_ =	strace $0x9000004E  }
0xb7: {  	_ =	sfence  }
0xb8: {  	s30 =	sld [smem:$0x0];
	_ =	sdelay $0x2  }
0xb9: {  	s31 =	sshll.u32 s1, $0xD;
	s1 =	sshrl.u32 s1, $0x2  }
0xba: {  	s3 =	sand.u32 $0x4000, s31;
	s1 =	sadd.s32 s1, s30  }
0xbb: {  	s0 =	sor.u32 s3, s0;
	s1 =	sshll.u32 s1, $0x11  }
0xbc: {  	s0 =	sor.u32 s1, s0  }
0xbd: {  	s0 =	sadd.s32 $0x8F2B, s0  }
0xbe: {  	[sflag:s0] =	ssyncadd.remote.s32 $0x1  }
0xbf: {  	_ =	sfence.sel $0xFFFF  }
0xc0: {  	[dreg:$0x0] =	wrdreg $0xFFFFFFFF;
	(pc) =	sbr.abs _section_cstart, $3  }
0xc1: {  	[dreg:$0x1] =	wrdreg $0xFFFFFFFF  }
0xc2: {  	_ =	task.clear_ibuf [dreg:s7], $0x2FFFF;
	_ =	strace $0x9FFFFFFF  }
0xc3: {  	(tm) =	ssettm $0x7FFFFFFF  }
tec
execute0_lowered:
.L_overlay_start_1:
0x0: {  	(tag) =	ssettag $0x1  }
0x1: {  	s0 =	rddreg [dreg:$0x0]  }
0x2: {  	s5 =	rddreg [dreg:$0x1]  }
0x3: {  	s1 =	srdreg.scid;
	s2 =	stileid.u32  }
0x4: {  	s3 =	rddreg [dreg:$0x2];
	s4 =	simm.s32 $0x0;
	s8 =	smul.u32 $0x13C00, s2  }
0x5: {  	s13 =	simm.s32 $0x80;
	s14 =	simm.s32 $0x100;
	s26 =	smul.u32 $0x4F000, s2  }
0x6: {  	s15 =	simm.s32 $0x1;
	s6 =	sand.u32 $0x1, s1;
	s30 =	smul.u32 $0x500, s2  }
0x7: {  	s16 =	simm.s32 $0x0;
	s1 =	rddreg [dreg:$0x3];
	s7 =	smul.u32 $0x5000, s6  }
0x8: {  	[smem:$0x7FF] =	sst s4;
	s31 =	sshll.u32 s2, $0x6;
	s9 =	smul.u32 $0x13C000, s6  }
0x9: {  	_ =	strace $0x8000004D;
	s6 =	ssub.s32 $0x2, s6;
	s25 =	sshrl.u32 s8, $0x3  }
0xa: {  	s28 =	sshrl.u32 s6, $0x1;
	s29 =	sshrl.u32 s26, $0x2;
	s10 =	sadd.s32 s7, s5  }
0xb: {  	s8 =	sadd.s32 s8, s9;
	s7 =	sadd.s32 s25, s5;
	s11 =	ssub.s32 s6, s28  }
0xc: {  	s12 =	sadd.s32 s29, s3;
	s6 =	sor.u32 $0x1C02, s31;
	s8 =	sshrl.u32 s8, $0x3  }
0xd: {  	s10 =	sadd.s32 s30, s10;
	s8 =	sadd.s32 s8, s5;
	s5 =	sadd.s32 $0xCC00, s7  }
0xe: {  	s9 =	sadd.s32 $0x2C00, s10;
	s10 =	sadd.s32 $0x83400, s10;
	s7 =	sadd.s32 $0x34400, s8  }
0xf: {  	s8 =	smax.u32 s11, $0x1;
	s11 =	sshrl.u32 s12, $0x3;
	s12 =	simm.s32 $0x2  }
.LBB2_1:
0x10: {  	[spmem:s11], [sflag:s6] =	dma.local [hbm:s5], $0x2780  }
0x11: {  	_ =	swait.ge [sflag:s12], $0x2780  }
0x12: {  	[sflag:s12] =	ssyncset.done $0x0  }
0x13: {  	[sflag:s12] =	ssyncadd.s32 $0xFFFFD880  }
0x14: {  	s17 =	sadd.s32 $0x0, s10;
	[bflag:$0x0] =	sbarrier.arrive $0xFFFF  }
0x15: {  	[tilespmem:s4], [sflag:$0x2] =	stream.linear.gather [hbm4b:s17+s4], $0x80, $0x38;
	[tilespmem:$0x17D00] =	vst v63  }
0x16: {  	_ =	swait.ge [sflag:s12], $0x80  }
0x17: {  	[sflag:s12] =	ssyncset.done $0x0  }
0x18: {  	s31 =	sadd.s32 $0x0, s9;
	[sflag:s12] =	ssyncadd.s32 $0xFFFFFF80  }
0x19: {  	[tilespmem:s13], [sflag:$0x2] =	stream.linear.gather [hbm4b:s31+s4], $0x80, $0x38;
	[tilespmem:$0x17D00] =	vst v63  }
0x1a: {  	_ =	swait.ge [sflag:s12], $0x80  }
0x1b: {  	[sflag:s12] =	ssyncset.done $0x0  }
0x1c: {  	[sflag:s12] =	ssyncadd.s32 $0xFFFFFF80  }
0x1d: {  	[tilespmem:s14], [sflag:$0x1] =	stream.indirect.gather [hbm4b:s0+s13], $0x80, s4, s13, $0xb8;
	[tilespmem:$0x17D00] =	vst v63  }
0x1e: {  	_ =	swait.ge [sflag:s15], $0x4000  }
0x1f: {  	[sflag:s15] =	ssyncset.done $0x0  }
0x20: {  	[sflag:s15] =	ssyncadd.s32 $0xFFFFC000  }
0x21: {  	[spmem:s3] =	stream.indirect.scatter.add.f32 [tilespmem:s14], [sflag:$0x2], $0x80, s13, s13, $0xb8;
	[tilespmem:$0x17D00] =	vst v63  }
0x22: {  	_ =	swait.ge [sflag:s12], $0x4000  }
0x23: {  	s18 =	simm.s32 $0x20;
	s17 =	simm.s32 $0x10;
	[sflag:s12] =	ssyncset.done $0x0  }
.LBB2_2:
0x24: {  	s19 =	sadd.s32 s17, s10  }
0x25: {  	[sflag:s12] =	ssyncadd.s32 $0xFFFFC000;
	s20 =	smov.u32 s18;
	s21 =	sadd.s32 $0x10, s18  }
0x26: {  	[tilespmem:s4], [sflag:$0x2] =	stream.linear.gather [hbm4b:s19+s4], $0x80, $0x38;
	[tilespmem:$0x17D00] =	vst v63  }
0x27: {  	p0 =	sne.s32 s18, $0x4F0;
	_ =	swait.ge [sflag:s12], $0x80  }
0x28: {  	[sflag:s12] =	ssyncset.done $0x0  }
0x29: {  	s18 =	sadd.s32 s17, s9;
	s17 =	smov.u32 s20;
	[sflag:s12] =	ssyncadd.s32 $0xFFFFFF80  }
0x2a: {  	[tilespmem:s13], [sflag:$0x2] =	stream.linear.gather [hbm4b:s18+s4], $0x80, $0x38;
	[tilespmem:$0x17D00] =	vst v63  }
0x2b: {  	_ =	swait.ge [sflag:s12], $0x80  }
0x2c: {  	[sflag:s12] =	ssyncset.done $0x0  }
0x2d: {  	[sflag:s12] =	ssyncadd.s32 $0xFFFFFF80  }
0x2e: {  	[tilespmem:s14], [sflag:$0x1] =	stream.indirect.gather [hbm4b:s0+s13], $0x80, s4, s13, $0xb8;
	[tilespmem:$0x17D00] =	vst v63  }
0x2f: {  	_ =	swait.ge [sflag:s15], $0x4000  }
.Ltmp0:
0x30: {  	[sflag:s15] =	ssyncset.done $0x0;
	(pc) =	sbr.rel @p0 .LBB2_2-.Ltmp0, $4  }
0x31: {  	[sflag:s15] =	ssyncadd.s32 $0xFFFFC000  }
0x32: {  	[spmem:s3] =	stream.indirect.scatter.add.f32 [tilespmem:s14], [sflag:$0x2], $0x80, s13, s13, $0xb8;
	[tilespmem:$0x17D00] =	vst v63  }
0x33: {  	_ =	swait.ge [sflag:s12], $0x4000  }
0x34: {  	s18 =	smov.u32 s21;
	[sflag:s12] =	ssyncset.done $0x0  }
0x35: {  	s18 =	sadd.s32 s17, s10;
	[sflag:s12] =	ssyncadd.s32 $0xFFFFC000  }
0x36: {  	[tilespmem:s4], [sflag:$0x2] =	stream.linear.gather [hbm4b:s18+s4], $0x80, $0x38;
	[tilespmem:$0x17D00] =	vst v63  }
0x37: {  	_ =	swait.ge [sflag:s12], $0x80  }
0x38: {  	[sflag:s12] =	ssyncset.done $0x0  }
0x39: {  	s31 =	sadd.s32 s17, s9;
	[sflag:s12] =	ssyncadd.s32 $0xFFFFFF80  }
0x3a: {  	[tilespmem:s13], [sflag:$0x2] =	stream.linear.gather [hbm4b:s31+s4], $0x80, $0x38;
	[tilespmem:$0x17D00] =	vst v63  }
0x3b: {  	_ =	swait.ge [sflag:s12], $0x80  }
0x3c: {  	[sflag:s12] =	ssyncset.done $0x0  }
0x3d: {  	[sflag:s12] =	ssyncadd.s32 $0xFFFFFF80  }
0x3e: {  	[tilespmem:s14], [sflag:$0x1] =	stream.indirect.gather [hbm4b:s0+s13], $0x80, s4, s13, $0xb8;
	[tilespmem:$0x17D00] =	vst v63  }
0x3f: {  	_ =	swait.ge [sflag:s15], $0x4000  }
0x40: {  	[sflag:s15] =	ssyncset.done $0x0  }
0x41: {  	[sflag:s15] =	ssyncadd.s32 $0xFFFFC000  }
0x42: {  	[spmem:s3] =	stream.indirect.scatter.add.f32 [tilespmem:s14], [sflag:$0x2], $0x80, s13, s13, $0xb8;
	[tilespmem:$0x17D00] =	vst v63  }
0x43: {  	_ =	swait.ge [sflag:s12], $0x4000  }
0x44: {  	s16 =	sadd.s32 $0x1, s16;
	[sflag:s12] =	ssyncset.done $0x0  }
0x45: {  	p0 =	sne.s32 s16, s8;
	[sflag:s12] =	ssyncadd.s32 $0xFFFFC000  }
.Ltmp1:
0x46: {  	[bflag:$0x0] =	sbarrier.arrive $0xFFFF;
	(pc) =	sbr.rel @p0 .LBB2_1-.Ltmp1, $4  }
0x47: {  	[hbm:s7], [sflag:s6] =	dma.local [spmem:s11], $0x2780  }
0x48: {  	_ =	swait.ge [sflag:s12], $0x2780  }
0x49: {  	[sflag:s12] =	ssyncset.done $0x0  }
0x4a: {  	[sflag:s12] =	ssyncadd.s32 $0xFFFFD880  }
0x4b: {  	_ =	sfence.sel $0x180000  }
0x4c: {  	[bflag:$0x0] =	sbarrier.arrive $0xFFFF  }
0x4d: {  	p0 =	sne.s32 s2, $0x0;
	_ =	strace $0x9000004D  }
0x4e: {  	s0 =	sadd.s32 @!p0 $0x100000, s1;
	[bflag:$0x2] =	sbarrier.arrive $0xFFFF  }
0x4f: {  	[sflag:s0] =	ssyncadd.tile.s32 @!p0 $0x1;
	_ =	shalt  }
.Lfunc_end2:
_tile_overlayer_lowered:
.L_overlay_start_2:
0x50: {  	(tag) =	ssettag $0x2  }
0x51: {  	s0 =	rddreg [dreg:$0x0];
	s2 =	stileid.u32  }
0x52: {  	s1 =	rddreg [dreg:$0x1];
	p0 =	sne.s32 s2, $0x0  }
0x53: {  	s3 =	rddreg [dreg:$0x2];
	[bflag:$0x3] =	sbarrier.arrive $0xFFFF;
	s2 =	simm.s32 @!p0 $0x1C02  }
0x54: {  	[timem:s3], [sflag:s2] =	dma.local @!p0 [hbm:s0], s1  }
0x55: {  	s0 =	simm.s32 @!p0 $0x2  }
0x56: {  	_ =	swait.ge @!p0 [sflag:s0], s1  }
0x57: {  	s1 =	ssub.s32 @!p0 $0x0, s1;
	[sflag:s0] =	ssyncset.done @!p0 $0x0  }
0x58: {  	[sflag:s0] =	ssyncadd.s32 @!p0 s1  }
0x59: {  	[bflag:$0x3] =	sbarrier.arrive $0xFFFF  }
0x5a: {  	_ =	shalt  }

// kernel: kernel.19.cloned.1.call-start
scs
__scs_entry_jumppad:
0x0: {  	(pc) =	sbr.rel $0x88, $3  }
0x1: {  	(tag) =	ssettag $0x0;
	lr =	simm.s32 $0x1  }
0x2: {  	[smem:$0x3F99] =	sst lr;
	_ =	strace $0xD0000000  }
0x3: {  	_ = 	snop  }
0x4: {  	_ = 	snop  }
0x5: {  	_ = 	snop  }
0x6: {  	_ = 	snop  }
0x7: {  	_ = 	snop  }
__scs_overlays_trampoline_lowered:
0x8: {  	[smem:$0x3FA8] =	sst s0  }
0x9: {  	[smem:$0x3FA9] =	sst s1  }
0xa: {  	[smem:$0x3FAA] =	sst s2  }
0xb: {  	[smem:$0x3FAB] =	sst s3  }
0xc: {  	[smem:$0x3FAC] =	sst s4  }
0xd: {  	[smem:$0x3FAD] =	sst s5  }
0xe: {  	[smem:$0x3FAE] =	sst s6  }
0xf: {  	[smem:$0x3FAF] =	sst s7  }
0x10: {  	[smem:$0x3FB0] =	sst s8  }
0x11: {  	[smem:$0x3FB1] =	sst s9;
	s0 =	simm.s32 @!p0 $0x0  }
0x12: {  	s1 =	sld [smem:$0x3F97];
	s0 =	simm.s32 @p0 $0x1  }
0x13: {  	[smem:$0x3FB2] =	sst s0;
	s0 =	simm.s32 @!p1 $0x0  }
0x14: {  	s2 =	sld [smem:$0x3F96];
	s0 =	simm.s32 @p1 $0x1  }
0x15: {  	[smem:$0x3FB3] =	sst s0;
	s0 =	simm.s32 @!p2 $0x0  }
0x16: {  	s3 =	sld [smem:$0x3FDB];
	s0 =	simm.s32 @p2 $0x1  }
0x17: {  	s4 =	simm.s32 $0x1BF5;
	[smem:$0x3FB5] =	sst s0  }
0x18: {  	s0 =	sld [smem:$0x3F98];
	_ =	swait.ge [sflag:s4], $0x0  }
0x19: {  	s7 =	sld [smem:$0x3F99]  }
0x1a: {  	s8 =	sadd.s32 $0xFFFFE003, lr  }
0x1b: {  	s9 =	sadd.s32 $0xFFFFFEF7, lr;
	s5 =	simm.s32 $0xFFFFFFFF;
	p2 =	slt.u32 s8, $0xFFFFF086  }
0x1c: {  	p1 =	slt.u32 s9, $0xF7A;
	s5 =	simm.s32 @!p2 $0x0  }
0x1d: {  	s5 =	simm.s32 @p1 $0x1;
	p0 =	seq.s32 s7, s2  }
0x1e: {  	s7 =	smul.u32 @!p0 $0xF7A, s2;
	p2 =	seq.s32 @!p0 s5, $0x0  }
0x1f: {  	s9 =	smul.u32 $0xF7A, s1;
	s8 =	simm.s32 @!p0 $0x1BF5;
	p2 =	por !p2, p0  }
0x20: {  	[sflag:s8] =	ssyncset.s32 @!p0 $0xFFFFF086;
	s6 =	sadd.s32 @!p0 s3, s7;
	s7 =	simm.s32 @!p0 $0x108  }
0x21: {  	s3 =	sadd.s32 s3, s9;
	s6 =	sadd.s32 @!p0 $0x88, s6;
	s7 =	simm.s32 @p2 $0x1082  }
0x22: {  	[simem:s7], [sflag:s8] =	dma.local @!p0 [hbm:s6], $0xF7A  }
0x23: {  	s9 =	sor.u32 $0xD0000000, s2;
	s6 =	simm.s32 $0x108;
	_ =	swait.ge @!p0 [sflag:s8], $0x0  }
0x24: {  	s3 =	sadd.s32 $0x88, s3;
	s6 =	simm.s32 @!p1 $0x1082;
	[sflag:s4] =	ssyncset.s32 $0xFFFFF086  }
0x25: {  	[simem:s6], [sflag:s4] =	dma.local [hbm:s3], $0xF7A  }
0x26: {  	[smem:$0x3F99] =	sst s1;
	(tag) =	ssettag s2;
	_ =	strace s9  }
0x27: {  	s1 =	sld [smem:$0x3FA9]  }
0x28: {  	s2 =	sld [smem:$0x3FAA]  }
0x29: {  	s4 =	sld [smem:$0x3FAC]  }
0x2a: {  	p0 =	seq.s32 s5, $0x0;
	s5 =	sld [smem:$0x3FAD]  }
0x2b: {  	s6 =	sld [smem:$0x3FAE]  }
0x2c: {  	s7 =	sld [smem:$0x3FAF]  }
0x2d: {  	s3 =	simm.s32 $0x108;
	s8 =	sld [smem:$0x3FB0]  }
0x2e: {  	s3 =	simm.s32 @!p0 $0x1082;
	s9 =	sld [smem:$0x3FB1]  }
0x2f: {  	lr =	sadd.s32 s0, s3;
	s0 =	sld [smem:$0x3FA8]  }
0x30: {  	s3 =	sld [smem:$0x3FAB]  }
0x31: {  	[smem:$0x3FB4] =	sst s10  }
0x32: {  	s10 =	sld [smem:$0x3FB2];
	_ =	sdelay $0x3  }
0x33: {  	p0 =	seq.s32 s10, $0x1;
	s10 =	sld [smem:$0x3FB4];
	_ =	sdelay $0x3  }
0x34: {  	[smem:$0x3FB4] =	sst s10  }
0x35: {  	s10 =	sld [smem:$0x3FB3];
	_ =	sdelay $0x3  }
0x36: {  	p1 =	seq.s32 s10, $0x1;
	s10 =	sld [smem:$0x3FB4];
	_ =	sdelay $0x3  }
0x37: {  	[smem:$0x3FB4] =	sst s10  }
0x38: {  	s10 =	sld [smem:$0x3FB5]  }
0x39: {  	_ = 	snop;
	(pc) =	sbr.ind lr, $3  }
0x3a: {  	_ = 	snop  }
0x3b: {  	_ = 	snop  }
0x3c: {  	p2 =	seq.s32 s10, $0x1;
	s10 =	sld [smem:$0x3FB4]  }
0x3d: {  	_ =	shalt  }
0x3e: {  	_ =	shalt  }
0x3f: {  	_ =	shalt  }
0x40: {  	_ =	shalt  }
0x41: {  	_ =	shalt  }
0x42: {  	_ =	shalt  }
0x43: {  	_ =	shalt  }
0x44: {  	_ =	shalt  }
0x45: {  	_ =	shalt  }
0x46: {  	_ =	shalt  }
0x47: {  	_ =	shalt  }
0x48: {  	_ =	shalt  }
0x49: {  	_ =	shalt  }
0x4a: {  	_ =	shalt  }
0x4b: {  	_ =	shalt  }
0x4c: {  	_ =	shalt  }
0x4d: {  	_ =	shalt  }
0x4e: {  	_ =	shalt  }
0x4f: {  	_ =	shalt  }
0x50: {  	_ =	shalt  }
0x51: {  	_ =	shalt  }
0x52: {  	_ =	shalt  }
0x53: {  	_ =	shalt  }
0x54: {  	_ =	shalt  }
0x55: {  	_ =	shalt  }
0x56: {  	_ =	shalt  }
0x57: {  	_ =	shalt  }
0x58: {  	_ =	shalt  }
0x59: {  	_ =	shalt  }
0x5a: {  	_ =	shalt  }
0x5b: {  	_ =	shalt  }
0x5c: {  	_ =	shalt  }
0x5d: {  	_ =	shalt  }
0x5e: {  	_ =	shalt  }
0x5f: {  	_ =	shalt  }
0x60: {  	_ =	shalt  }
0x61: {  	_ =	shalt  }
0x62: {  	_ =	shalt  }
0x63: {  	_ =	shalt  }
0x64: {  	_ =	shalt  }
0x65: {  	_ =	shalt  }
0x66: {  	_ =	shalt  }
0x67: {  	_ =	shalt  }
0x68: {  	_ =	shalt  }
0x69: {  	_ =	shalt  }
0x6a: {  	_ =	shalt  }
0x6b: {  	_ =	shalt  }
0x6c: {  	_ =	shalt  }
0x6d: {  	_ =	shalt  }
0x6e: {  	_ =	shalt  }
0x6f: {  	_ =	shalt  }
0x70: {  	_ =	shalt  }
0x71: {  	_ =	shalt  }
0x72: {  	_ =	shalt  }
0x73: {  	_ =	shalt  }
0x74: {  	_ =	shalt  }
0x75: {  	_ =	shalt  }
0x76: {  	_ =	shalt  }
0x77: {  	_ =	shalt  }
0x78: {  	_ =	shalt  }
0x79: {  	_ =	shalt  }
0x7a: {  	_ =	shalt  }
0x7b: {  	_ =	shalt  }
0x7c: {  	_ =	shalt  }
0x7d: {  	_ =	shalt  }
0x7e: {  	_ =	shalt  }
0x7f: {  	_ =	shalt  }
0x80: {  	_ =	shalt  }
0x81: {  	_ =	shalt  }
0x82: {  	_ =	shalt  }
0x83: {  	_ =	shalt  }
0x84: {  	_ =	shalt  }
0x85: {  	_ =	shalt  }
0x86: {  	_ =	shalt  }
0x87: {  	_ =	shalt  }
.Lfunc_end0:
.L_simem_size_0:
called_computation.3_lowered:
.L_overlay_start_0:
0x88: {  	s2 =	sld [smem:$0x3FD9]  }
0x89: {  	s3 =	sld [smem:$0x3FFE];
	_ =	sdelay $0x1  }
0x8a: {  	s1 =	srdreg.scid  }
0x8b: {  	s0 =	sand.u32 $0x1, s1  }
0x8c: {  	s17 =	sshll.u32 s0, $0xA;
	s2 =	sadd.s32 s3, s2  }
0x8d: {  	s2 =	sadd.s32 s2, s17  }
0x8e: {  	[smem:$0x3FC0] =	sst s2  }
0x8f: {  	_ = 	snop  }
0x90: {  	s2 =	sld [smem:$0x3FD0];
	(tm) =	ssettm $0x1  }
0x91: {  	s18 =	sld [smem:$0x3FFB];
	_ =	sdelay $0x3  }
0x92: {  	_ =	strace s18  }
0x93: {  	s3 =	sld [smem:$0x3FFC];
	_ =	sdelay $0x3  }
0x94: {  	_ =	strace s3  }
0x95: {  	s3 =	sld [smem:$0x3FFD];
	_ =	sdelay $0x3  }
0x96: {  	_ =	strace s3  }
0x97: {  	_ =	strace $0x8FFFFFFF  }
0x98: {  	s19 =	sld [smem:$0x3FDB];
	_ =	sdelay $0x1  }
0x99: {  	s4 =	simm.s32 $_scs_section_size  }
0x9a: {  	s5 =	simm.s32 $_size__tile_overlayer_lowered;
	s6 =	simm.s32 $_tile_overlayer_lowered  }
0x9b: {  	s22 =	simm.s32 $0x1BFF;
	s21 =	sshll.u32 s6, $0x1;
	s3 =	sadd.s32 s4, s19  }
0x9c: {  	s7 =	simm.s32 $0x0;
	s20 =	sshll.u32 s5, $0x1;
	s5 =	sadd.s32 s21, s3  }
0x9d: {  	[timem:s7], [sflag:s22] =	dma.local [hbm:s5], s20  }
0x9e: {  	_ =	swait.ge [sflag:s22], s20  }
0x9f: {  	s4 =	ssub.s32 $0x0, s20;
	[sflag:s22] =	ssyncset.done $0x0  }
0xa0: {  	[sflag:s22] =	ssyncadd.s32 s4;
	_ =	sdelay $0x1  }
0xa1: {  	s23 =	simm.s32 $0x1B8B  }
0xa2: {  	_ =	swait.ge [sflag:s23], $0x1  }
0xa3: {  	[sflag:s23] =	ssyncset.done $0x0  }
0xa4: {  	s25 =	simm.s32 $0x1B8E;
	s24 =	sld [smem:$0x3FFE];
	[sflag:s23] =	ssyncadd.s32 $0xFFFFFFFF  }
0xa5: {  	s26 =	simm.s32 $execute0_lowered;
	[smem:$0x3FD2] =	sst s25  }
0xa6: {  	s5 =	sshll.u32 s26, $0x1;
	_ =	strace $0x8000004F;
	[dreg:$0x1] =	wrdreg $0xFFFFFFFF  }
0xa7: {  	s28 =	simm.s32 $_size_execute0_lowered;
	s3 =	sadd.s32 s3, s5;
	[dreg:$0x0] =	wrdreg $0x0  }
0xa8: {  	s5 =	sshll.u32 s28, $0x1;
	[dreg:$0x2] =	wrdreg s3  }
0xa9: {  	[dreg:$0x3] =	wrdreg s5  }
0xaa: {  	[dreg:$0x4] =	wrdreg $0xC0  }
0xab: {  	_ =	task [dreg:s7], $0x5FFFF  }
0xac: {  	[dreg:$0x1] =	wrdreg $0xFFFFFFFF  }
0xad: {  	[dreg:$0x0] =	wrdreg $0x60  }
0xae: {  	[dreg:$0x2] =	wrdreg s2  }
0xaf: {  	[dreg:$0x3] =	wrdreg s24  }
0xb0: {  	[dreg:$0x4] =	wrdreg $0x41000  }
0xb1: {  	[dreg:$0x5] =	wrdreg $0x9  }
0xb2: {  	_ =	task.clear_ibuf [dreg:s7], $0x6FFFF;
	_ =	strace $0x9000004F  }
0xb3: {  	s29 =	simm.s32 $0x9;
	_ =	strace $0x80000051  }
0xb4: {  	_ =	swait.ge [sflag:s29], $0x1  }
0xb5: {  	[sflag:s29] =	ssyncadd.s32 $0xFFFFFFFF  }
0xb6: {  	_ =	strace $0x90000051  }
0xb7: {  	_ =	sfence  }
0xb8: {  	s30 =	sld [smem:$0x0];
	_ =	sdelay $0x2  }
0xb9: {  	s31 =	sshll.u32 s1, $0xD;
	s1 =	sshrl.u32 s1, $0x2  }
0xba: {  	s3 =	sand.u32 $0x4000, s31;
	s1 =	sadd.s32 s1, s30  }
0xbb: {  	s0 =	sor.u32 s3, s0;
	s1 =	sshll.u32 s1, $0x11  }
0xbc: {  	s0 =	sor.u32 s1, s0  }
0xbd: {  	s0 =	sadd.s32 $0x8F2B, s0  }
0xbe: {  	[sflag:s0] =	ssyncadd.remote.s32 $0x1  }
0xbf: {  	_ =	sfence.sel $0xFFFF  }
0xc0: {  	[dreg:$0x0] =	wrdreg $0xFFFFFFFF;
	(pc) =	sbr.abs _section_cstart, $3  }
0xc1: {  	[dreg:$0x1] =	wrdreg $0xFFFFFFFF  }
0xc2: {  	_ =	task.clear_ibuf [dreg:s7], $0x2FFFF;
	_ =	strace $0x9FFFFFFF  }
0xc3: {  	(tm) =	ssettm $0x7FFFFFFF  }
tec
execute0_lowered:
.L_overlay_start_1:
0x0: {  	(tag) =	ssettag $0x1  }
0x1: {  	s0 =	rddreg [dreg:$0x0]  }
0x2: {  	s5 =	rddreg [dreg:$0x1]  }
0x3: {  	s1 =	srdreg.scid;
	s2 =	stileid.u32  }
0x4: {  	s3 =	rddreg [dreg:$0x2];
	s4 =	simm.s32 $0x0;
	s8 =	smul.u32 $0x13C00, s2  }
0x5: {  	s13 =	simm.s32 $0x80;
	s14 =	simm.s32 $0x100;
	s26 =	smul.u32 $0x4F000, s2  }
0x6: {  	s15 =	simm.s32 $0x1;
	s6 =	sand.u32 $0x1, s1;
	s30 =	smul.u32 $0x500, s2  }
0x7: {  	s16 =	simm.s32 $0x0;
	s1 =	rddreg [dreg:$0x3];
	s7 =	smul.u32 $0x5000, s6  }
0x8: {  	[smem:$0x7FF] =	sst s4;
	s31 =	sshll.u32 s2, $0x6;
	s9 =	smul.u32 $0x13C000, s6  }
0x9: {  	_ =	strace $0x80000050;
	s6 =	ssub.s32 $0x2, s6;
	s25 =	sshrl.u32 s8, $0x3  }
0xa: {  	s28 =	sshrl.u32 s6, $0x1;
	s29 =	sshrl.u32 s26, $0x2;
	s10 =	sadd.s32 s7, s5  }
0xb: {  	s8 =	sadd.s32 s8, s9;
	s7 =	sadd.s32 s25, s5;
	s11 =	ssub.s32 s6, s28  }
0xc: {  	s12 =	sadd.s32 s29, s3;
	s6 =	sor.u32 $0x1C02, s31;
	s8 =	sshrl.u32 s8, $0x3  }
0xd: {  	s10 =	sadd.s32 s30, s10;
	s8 =	sadd.s32 s8, s5;
	s5 =	sadd.s32 $0xCC00, s7  }
0xe: {  	s9 =	sadd.s32 $0x2C00, s10;
	s10 =	sadd.s32 $0x83400, s10;
	s7 =	sadd.s32 $0x34400, s8  }
0xf: {  	s8 =	smax.u32 s11, $0x1;
	s11 =	sshrl.u32 s12, $0x3;
	s12 =	simm.s32 $0x2  }
.LBB2_1:
0x10: {  	[spmem:s11], [sflag:s6] =	dma.local [hbm:s5], $0x2780  }
0x11: {  	_ =	swait.ge [sflag:s12], $0x2780  }
0x12: {  	[sflag:s12] =	ssyncset.done $0x0  }
0x13: {  	[sflag:s12] =	ssyncadd.s32 $0xFFFFD880  }
0x14: {  	s17 =	sadd.s32 $0x0, s10;
	[bflag:$0x0] =	sbarrier.arrive $0xFFFF  }
0x15: {  	[tilespmem:s4], [sflag:$0x2] =	stream.linear.gather [hbm4b:s17+s4], $0x80, $0x38;
	[tilespmem:$0x17D00] =	vst v63  }
0x16: {  	_ =	swait.ge [sflag:s12], $0x80  }
0x17: {  	[sflag:s12] =	ssyncset.done $0x0  }
0x18: {  	s31 =	sadd.s32 $0x0, s9;
	[sflag:s12] =	ssyncadd.s32 $0xFFFFFF80  }
0x19: {  	[tilespmem:s13], [sflag:$0x2] =	stream.linear.gather [hbm4b:s31+s4], $0x80, $0x38;
	[tilespmem:$0x17D00] =	vst v63  }
0x1a: {  	_ =	swait.ge [sflag:s12], $0x80  }
0x1b: {  	[sflag:s12] =	ssyncset.done $0x0  }
0x1c: {  	[sflag:s12] =	ssyncadd.s32 $0xFFFFFF80  }
0x1d: {  	[tilespmem:s14], [sflag:$0x1] =	stream.indirect.gather [hbm4b:s0+s13], $0x80, s4, s13, $0xb8;
	[tilespmem:$0x17D00] =	vst v63  }
0x1e: {  	_ =	swait.ge [sflag:s15], $0x4000  }
0x1f: {  	[sflag:s15] =	ssyncset.done $0x0  }
0x20: {  	[sflag:s15] =	ssyncadd.s32 $0xFFFFC000  }
0x21: {  	[spmem:s3] =	stream.indirect.scatter.add.f32 [tilespmem:s14], [sflag:$0x2], $0x80, s13, s13, $0xb8;
	[tilespmem:$0x17D00] =	vst v63  }
0x22: {  	_ =	swait.ge [sflag:s12], $0x4000  }
0x23: {  	s18 =	simm.s32 $0x20;
	s17 =	simm.s32 $0x10;
	[sflag:s12] =	ssyncset.done $0x0  }
.LBB2_2:
0x24: {  	s19 =	sadd.s32 s17, s10  }
0x25: {  	[sflag:s12] =	ssyncadd.s32 $0xFFFFC000;
	s20 =	smov.u32 s18;
	s21 =	sadd.s32 $0x10, s18  }
0x26: {  	[tilespmem:s4], [sflag:$0x2] =	stream.linear.gather [hbm4b:s19+s4], $0x80, $0x38;
	[tilespmem:$0x17D00] =	vst v63  }
0x27: {  	p0 =	sne.s32 s18, $0x4F0;
	_ =	swait.ge [sflag:s12], $0x80  }
0x28: {  	[sflag:s12] =	ssyncset.done $0x0  }
0x29: {  	s18 =	sadd.s32 s17, s9;
	s17 =	smov.u32 s20;
	[sflag:s12] =	ssyncadd.s32 $0xFFFFFF80  }
0x2a: {  	[tilespmem:s13], [sflag:$0x2] =	stream.linear.gather [hbm4b:s18+s4], $0x80, $0x38;
	[tilespmem:$0x17D00] =	vst v63  }
0x2b: {  	_ =	swait.ge [sflag:s12], $0x80  }
0x2c: {  	[sflag:s12] =	ssyncset.done $0x0  }
0x2d: {  	[sflag:s12] =	ssyncadd.s32 $0xFFFFFF80  }
0x2e: {  	[tilespmem:s14], [sflag:$0x1] =	stream.indirect.gather [hbm4b:s0+s13], $0x80, s4, s13, $0xb8;
	[tilespmem:$0x17D00] =	vst v63  }
0x2f: {  	_ =	swait.ge [sflag:s15], $0x4000  }
.Ltmp0:
0x30: {  	[sflag:s15] =	ssyncset.done $0x0;
	(pc) =	sbr.rel @p0 .LBB2_2-.Ltmp0, $4  }
0x31: {  	[sflag:s15] =	ssyncadd.s32 $0xFFFFC000  }
0x32: {  	[spmem:s3] =	stream.indirect.scatter.add.f32 [tilespmem:s14], [sflag:$0x2], $0x80, s13, s13, $0xb8;
	[tilespmem:$0x17D00] =	vst v63  }
0x33: {  	_ =	swait.ge [sflag:s12], $0x4000  }
0x34: {  	s18 =	smov.u32 s21;
	[sflag:s12] =	ssyncset.done $0x0  }
0x35: {  	s18 =	sadd.s32 s17, s10;
	[sflag:s12] =	ssyncadd.s32 $0xFFFFC000  }
0x36: {  	[tilespmem:s4], [sflag:$0x2] =	stream.linear.gather [hbm4b:s18+s4], $0x80, $0x38;
	[tilespmem:$0x17D00] =	vst v63  }
0x37: {  	_ =	swait.ge [sflag:s12], $0x80  }
0x38: {  	[sflag:s12] =	ssyncset.done $0x0  }
0x39: {  	s31 =	sadd.s32 s17, s9;
	[sflag:s12] =	ssyncadd.s32 $0xFFFFFF80  }
0x3a: {  	[tilespmem:s13], [sflag:$0x2] =	stream.linear.gather [hbm4b:s31+s4], $0x80, $0x38;
	[tilespmem:$0x17D00] =	vst v63  }
0x3b: {  	_ =	swait.ge [sflag:s12], $0x80  }
0x3c: {  	[sflag:s12] =	ssyncset.done $0x0  }
0x3d: {  	[sflag:s12] =	ssyncadd.s32 $0xFFFFFF80  }
0x3e: {  	[tilespmem:s14], [sflag:$0x1] =	stream.indirect.gather [hbm4b:s0+s13], $0x80, s4, s13, $0xb8;
	[tilespmem:$0x17D00] =	vst v63  }
0x3f: {  	_ =	swait.ge [sflag:s15], $0x4000  }
0x40: {  	[sflag:s15] =	ssyncset.done $0x0  }
0x41: {  	[sflag:s15] =	ssyncadd.s32 $0xFFFFC000  }
0x42: {  	[spmem:s3] =	stream.indirect.scatter.add.f32 [tilespmem:s14], [sflag:$0x2], $0x80, s13, s13, $0xb8;
	[tilespmem:$0x17D00] =	vst v63  }
0x43: {  	_ =	swait.ge [sflag:s12], $0x4000  }
0x44: {  	s16 =	sadd.s32 $0x1, s16;
	[sflag:s12] =	ssyncset.done $0x0  }
0x45: {  	p0 =	sne.s32 s16, s8;
	[sflag:s12] =	ssyncadd.s32 $0xFFFFC000  }
.Ltmp1:
0x46: {  	[bflag:$0x0] =	sbarrier.arrive $0xFFFF;
	(pc) =	sbr.rel @p0 .LBB2_1-.Ltmp1, $4  }
0x47: {  	[hbm:s7], [sflag:s6] =	dma.local [spmem:s11], $0x2780  }
0x48: {  	_ =	swait.ge [sflag:s12], $0x2780  }
0x49: {  	[sflag:s12] =	ssyncset.done $0x0  }
0x4a: {  	[sflag:s12] =	ssyncadd.s32 $0xFFFFD880  }
0x4b: {  	_ =	sfence.sel $0x180000  }
0x4c: {  	[bflag:$0x0] =	sbarrier.arrive $0xFFFF  }
0x4d: {  	p0 =	sne.s32 s2, $0x0;
	_ =	strace $0x90000050  }
0x4e: {  	s0 =	sadd.s32 @!p0 $0x100000, s1;
	[bflag:$0x2] =	sbarrier.arrive $0xFFFF  }
0x4f: {  	[sflag:s0] =	ssyncadd.tile.s32 @!p0 $0x1;
	_ =	shalt  }
.Lfunc_end2:
_tile_overlayer_lowered:
.L_overlay_start_2:
0x50: {  	(tag) =	ssettag $0x2  }
0x51: {  	s0 =	rddreg [dreg:$0x0];
	s2 =	stileid.u32  }
0x52: {  	s1 =	rddreg [dreg:$0x1];
	p0 =	sne.s32 s2, $0x0  }
0x53: {  	s3 =	rddreg [dreg:$0x2];
	[bflag:$0x3] =	sbarrier.arrive $0xFFFF;
	s2 =	simm.s32 @!p0 $0x1C02  }
0x54: {  	[timem:s3], [sflag:s2] =	dma.local @!p0 [hbm:s0], s1  }
0x55: {  	s0 =	simm.s32 @!p0 $0x2  }
0x56: {  	_ =	swait.ge @!p0 [sflag:s0], s1  }
0x57: {  	s1 =	ssub.s32 @!p0 $0x0, s1;
	[sflag:s0] =	ssyncset.done @!p0 $0x0  }
0x58: {  	[sflag:s0] =	ssyncadd.s32 @!p0 s1  }
0x59: {  	[bflag:$0x3] =	sbarrier.arrive $0xFFFF  }
0x5a: {  	_ =	shalt  }

</sc_bundles>
